<compile_context>
chip_gen: v7x
topology: tpu7x:2x2x1
jax: 0.10.2.dev20260603
libtpu: 0.0.44.dev20260713+nightly
codegen_flags: <defaults>
</compile_context>

<pallas_src>
import functools

import jax
import jax.numpy as jnp
from jax import lax
from jax.experimental import pallas as pl
from jax.experimental.pallas import tpu as pltpu
from jax.experimental.pallas import tpu_sc as plsc

F32 = jnp.float32
I32 = jnp.int32

_NC, _NS = 2, 16
_NW = _NC * _NS
_CHUNK = 2000
_ECHUNK = 4000
_PREC = lax.Precision.HIGHEST


def _mm(a, w, b):
    return lax.dot_general(a, w, (((1,), (0,)), ((), ())),
                           preferred_element_type=F32, precision=_PREC) + b


def _relu(v):
    return jnp.maximum(v, 0.0)



def _deg_body(col_f, zeros_h, out_h, cb0, cb1, deg_v, sem0, sem1):
    cid = lax.axis_index("c")
    sid = lax.axis_index("s")
    n_pad = deg_v.shape[0]
    ept = col_f.shape[0] // _NW
    base = (cid * _NS + sid) * ept
    pltpu.sync_copy(zeros_h.at[pl.ds(0, n_pad)], deg_v)
    ones16 = jnp.full((16,), 1.0, F32)
    cbs, sems = [cb0, cb1], [sem0, sem1]
    nk = ept // _CHUNK

    def start(k):
        o = base + k * _CHUNK
        return pltpu.async_copy(col_f.at[pl.ds(o, _CHUNK)], cbs[k % 2], sems[k % 2])

    pend = start(0)
    for k in range(nk):
        pend.wait()
        if k + 1 < nk:
            nxt = start(k + 1)
        colb_v = cbs[k % 2]

        @plsc.parallel_loop(0, _CHUNK // 16, 1, unroll=5)
        def _(i):
            cv = colb_v[pl.ds(i * 16, 16)]
            plsc.addupdate_scatter(deg_v, [cv], ones16)

        if k + 1 < nk:
            pend = nxt
    pltpu.sync_copy(deg_v, out_h.at[cid, sid])


def _edge_body(g0_f, g1_f, row_f, col_f, zeros_h, out_h,
               rb0, cb0, rb1, cb1, g_v, acc_v, sem0, sem1):
    cid = lax.axis_index("c")
    sid = lax.axis_index("s")

    @pl.when(cid == 0)
    def _():
        pltpu.sync_copy(g0_f, g_v)

    @pl.when(cid == 1)
    def _():
        pltpu.sync_copy(g1_f, g_v)

    pltpu.sync_copy(zeros_h, acc_v)
    ept = row_f.shape[0] // _NS
    base = sid * ept
    rbs, cbs, sems = [rb0, rb1], [cb0, cb1], [sem0, sem1]
    nk = ept // _ECHUNK

    def start(k):
        o = base + k * _ECHUNK
        d1 = pltpu.async_copy(row_f.at[pl.ds(o, _ECHUNK)], rbs[k % 2], sems[k % 2])
        d2 = pltpu.async_copy(col_f.at[pl.ds(o, _ECHUNK)], cbs[k % 2], sems[k % 2])
        return (d1, d2)

    pend = start(0)
    for k in range(nk):
        pend[0].wait()
        pend[1].wait()
        if k + 1 < nk:
            nxt = start(k + 1)
        rowb_v, colb_v = rbs[k % 2], cbs[k % 2]

        @plsc.parallel_loop(0, _ECHUNK // 16, 1, unroll=5)
        def _(i):
            rv = rowb_v[pl.ds(i * 16, 16)] * 4
            cv = colb_v[pl.ds(i * 16, 16)] * 4
            for fc in range(4):
                vals = plsc.load_gather(g_v, [cv + fc])
                plsc.addupdate_scatter(acc_v, [rv + fc], vals)

        if k + 1 < nk:
            pend = nxt
    pltpu.sync_copy(acc_v, out_h.at[cid, sid])



def _pre_body(x_ref, degs_ref, w1, b1, w2, b2, w3, b3,
              glo_ref, ghi_ref, dis_ref):
    deg = jnp.sum(degs_ref[...], axis=1)[:, None] + 1.0
    dis = lax.rsqrt(deg)
    h = _relu(_mm(x_ref[...], w1[...], b1[...]))
    h = _relu(_mm(h, w2[...], b2[...]))
    h = _mm(h, w3[...], b3[...])
    g = dis * h
    glo_ref[...] = g[:, :4]
    ghi_ref[...] = g[:, 4:]
    dis_ref[...] = dis


def _red_body(a_ref, lo_ref, hi_ref):
    a = a_ref[...]
    lo_ref[...] = jnp.sum(a[:_NS], axis=0)[None, :]
    hi_ref[...] = jnp.sum(a[_NS:], axis=0)[None, :]


def _post_body(a0_ref, a1_ref, glo_ref, ghi_ref, dis_ref, x_ref, batch_ref,
               mjob_ref,
               w1, b1, w2, b2, w3, b3,
               wd1, bd1, wd2, bd2, wd3, bd3,
               wg1, bg1, wg2, bg2, wg3, bg3,
               xn_ref, y_ref, z_ref, acc_y):
    i = pl.program_id(0)
    nsteps = pl.num_programs(0)
    acc8 = jnp.concatenate([a0_ref[...] + glo_ref[...],
                            a1_ref[...] + ghi_ref[...]], axis=1)
    aggr = dis_ref[...] * acc8
    t = _relu(_mm(aggr, w1[...], b1[...]))
    t = _relu(_mm(t, w2[...], b2[...]))
    xn = _mm(t, w3[...], b3[...])
    xn_ref[...] = xn
    ng = mjob_ref.shape[0]
    oh = (batch_ref[...] == lax.broadcasted_iota(I32, (batch_ref.shape[0], ng), 1)
          ).astype(F32)
    cat = jnp.concatenate([x_ref[...], xn], axis=1)
    part = lax.dot_general(oh, cat, (((0,), (0,)), ((), ())),
                           preferred_element_type=F32, precision=_PREC)

    @pl.when(i == 0)
    def _():
        acc_y[...] = jnp.zeros_like(acc_y)

    acc_y[...] += part

    @pl.when(i == nsteps - 1)
    def _():
        y = acc_y[...]
        t1 = _relu(_mm(y, wd1[...], bd1[...]))
        t1 = _relu(_mm(t1, wd2[...], bd2[...]))
        yd = _mm(t1, wd3[...], bd3[...])
        y_ref[...] = yd
        zp = lax.dot_general(mjob_ref[...], yd, (((1,), (0,)), ((), ())),
                             preferred_element_type=F32, precision=_PREC)
        t2 = _relu(_mm(zp, wg1[...], bg1[...]))
        t2 = _relu(_mm(t2, wg2[...], bg2[...]))
        z_ref[...] = _mm(t2, wg3[...], bg3[...])


def _full(shape):
    return pl.BlockSpec(shape, lambda i: tuple(0 for _ in shape))



def kernel(x, edge_index, batch, job_indptr, params):
    n = x.shape[0]
    e = edge_index.shape[1]
    in_ch = x.shape[1]
    ng = job_indptr.shape[0] - 1

    blk = 2000
    n_blocks = n // blk
    npw = n * 4

    row_f = edge_index[0]
    col_f = edge_index[1]
    batch2 = batch.reshape(n, 1)
    ids = jnp.arange(ng, dtype=I32)[None, :]
    mjob = ((ids >= job_indptr[:-1, None]) & (ids < job_indptr[1:, None])
            ).astype(F32)
    zeros_h = jnp.zeros((npw,), F32)

    mesh = plsc.VectorSubcoreMesh(core_axis_name="c", subcore_axis_name="s")
    sc_params = pltpu.CompilerParams(needs_layout_passes=False)

    deg_fn = pl.kernel(
        _deg_body,
        out_type=jax.ShapeDtypeStruct((_NC, _NS, n), F32),
        mesh=mesh,
        compiler_params=sc_params,
        scratch_types=[
            pltpu.VMEM((_CHUNK,), I32),
            pltpu.VMEM((_CHUNK,), I32),
            pltpu.VMEM((n,), F32),
            pltpu.SemaphoreType.DMA,
            pltpu.SemaphoreType.DMA,
        ],
    )
    deg_acc = deg_fn(col_f, zeros_h)
    degs = deg_acc.reshape(_NW, n).T

    p1 = params['mlp1']
    wb1 = []
    for wmat, bvec in p1:
        wb1 += [wmat, bvec.reshape(1, -1)]
    grid = (n_blocks,)
    pre = pl.pallas_call(
        _pre_body,
        grid=grid,
        in_specs=[
            pl.BlockSpec((blk, in_ch), lambda i: (i, 0)),
            pl.BlockSpec((blk, _NW), lambda i: (i, 0)),
        ] + [_full(a.shape) for a in wb1],
        out_specs=[
            pl.BlockSpec((blk, 4), lambda i: (i, 0)),
            pl.BlockSpec((blk, 4), lambda i: (i, 0)),
            pl.BlockSpec((blk, 1), lambda i: (i, 0)),
        ],
        out_shape=[
            jax.ShapeDtypeStruct((n, 4), F32),
            jax.ShapeDtypeStruct((n, 4), F32),
            jax.ShapeDtypeStruct((n, 1), F32),
        ],
    )
    g_lo, g_hi, dis = pre(x, degs, *wb1)
    g0f = g_lo.reshape(-1)
    g1f = g_hi.reshape(-1)

    edge_fn = pl.kernel(
        _edge_body,
        out_type=jax.ShapeDtypeStruct((_NC, _NS, npw), F32),
        mesh=mesh,
        compiler_params=sc_params,
        scratch_types=[
            pltpu.VMEM((_ECHUNK,), I32),
            pltpu.VMEM((_ECHUNK,), I32),
            pltpu.VMEM((_ECHUNK,), I32),
            pltpu.VMEM((_ECHUNK,), I32),
            pltpu.VMEM((npw,), F32),
            pltpu.VMEM((npw,), F32),
            pltpu.SemaphoreType.DMA,
            pltpu.SemaphoreType.DMA,
        ],
    )
    acc = edge_fn(g0f, g1f, row_f, col_f, zeros_h)
    accs2 = acc.reshape(_NW, npw)

    red = pl.pallas_call(
        _red_body,
        grid=(1,),
        in_specs=[pl.BlockSpec((_NW, npw), lambda i: (0, 0))],
        out_specs=[
            pl.BlockSpec((1, npw), lambda i: (0, 0)),
            pl.BlockSpec((1, npw), lambda i: (0, 0)),
        ],
        out_shape=[
            jax.ShapeDtypeStruct((1, npw), F32),
            jax.ShapeDtypeStruct((1, npw), F32),
        ],
    )
    rlo, rhi = red(accs2)
    a0 = rlo.reshape(n, 4)
    a1 = rhi.reshape(n, 4)

    wb = []
    for key in ('mlp2', 'mlp_dag', 'mlp_global'):
        for wmat, bvec in params[key]:
            wb += [wmat, bvec.reshape(1, -1)]
    post = pl.pallas_call(
        _post_body,
        grid=grid,
        in_specs=[
            pl.BlockSpec((blk, 4), lambda i: (i, 0)),
            pl.BlockSpec((blk, 4), lambda i: (i, 0)),
            pl.BlockSpec((blk, 4), lambda i: (i, 0)),
            pl.BlockSpec((blk, 4), lambda i: (i, 0)),
            pl.BlockSpec((blk, 1), lambda i: (i, 0)),
            pl.BlockSpec((blk, in_ch), lambda i: (i, 0)),
            pl.BlockSpec((blk, 1), lambda i: (i, 0)),
            _full(mjob.shape),
        ] + [_full(a.shape) for a in wb],
        out_specs=[
            pl.BlockSpec((blk, 128), lambda i: (i, 0)),
            _full((ng, 128)),
            _full((ng, 128)),
        ],
        out_shape=[
            jax.ShapeDtypeStruct((n, 128), F32),
            jax.ShapeDtypeStruct((ng, 128), F32),
            jax.ShapeDtypeStruct((ng, 128), F32),
        ],
        scratch_shapes=[pltpu.VMEM((ng, 256), F32)],
    )
    xn, y, z = post(a0, a1, g_lo, g_hi, dis, x, batch2, mjob, *wb)
    return (xn, y, z)

# --- scband reference (transcript-rebuilt; emitter-appended) ---
"""Pipeline reference for scband-graph-encoder-network-37426345017674 (READ-ONLY COPY).

The authoritative reference and input builder live on the scoring server;
editing this copy changes nothing except your own understanding.
"""

import jax, jax.numpy as jnp
import numpy as np

N_NODES = 10000
N_EDGES = 320000
IN_CH = 128
DIM_EMBED = 128
N_GRAPHS = 64
N_JOBS = 64


def _init_mlp(key, dims):
    params = []
    for i in range(len(dims) - 1):
        key, k1, k2 = jax.random.split(key, 3)
        lim = 1.0 / np.sqrt(dims[i])
        W = jax.random.uniform(k1, (dims[i], dims[i + 1]), minval=-lim, maxval=lim, dtype=jnp.float32)
        b = jax.random.uniform(k2, (dims[i + 1],), minval=-lim, maxval=lim, dtype=jnp.float32)
        params.append((W, b))
    return params


def _mlp(params, x):
    # Linear -> ReLU -> Linear -> ReLU -> Linear (no activation after last)
    n = len(params)
    for i, (W, b) in enumerate(params):
        x = x @ W + b
        if i < n - 1:
            x = jax.nn.relu(x)
    return x


def setup_inputs(seed: int = 0) -> dict:
    key = jax.random.key(seed)
    kx, ke, kb, kp = jax.random.split(key, 4)
    x = jax.random.normal(kx, (N_NODES, IN_CH), dtype=jnp.float32)
    edge_index = jax.random.randint(ke, (2, N_EDGES), 0, N_NODES, dtype=jnp.int32)
    batch = jnp.sort(jax.random.randint(kb, (N_NODES,), 0, N_GRAPHS, dtype=jnp.int32))
    job_indptr = jnp.arange(N_JOBS + 1, dtype=jnp.int32)  # 64 jobs, one DAG each
    k1, k2, k3, k4 = jax.random.split(kp, 4)
    params = {
        'mlp1': _init_mlp(k1, [IN_CH, 32, 16, 8]),
        'mlp2': _init_mlp(k2, [8, 32, 16, DIM_EMBED]),
        'mlp_dag': _init_mlp(k3, [IN_CH + DIM_EMBED, 32, 16, DIM_EMBED]),
        'mlp_global': _init_mlp(k4, [DIM_EMBED, 32, 16, DIM_EMBED]),
    }
    return {'x': x, 'edge_index': edge_index, 'batch': batch, 'job_indptr': job_indptr, 'params': params}


def reference(x, edge_index, batch, job_indptr, params):
    N = x.shape[0]
    # add_self_loops
    loops = jnp.arange(N, dtype=edge_index.dtype)
    row = jnp.concatenate([edge_index[0], loops])
    col = jnp.concatenate([edge_index[1], loops])
    # GCNConv: mlp1 then normalized propagate (flow='target_to_source':
    # x_j = x[col], aggregated at row)
    h = _mlp(params['mlp1'], x)
    deg = jnp.zeros((N,), dtype=x.dtype).at[col].add(1.0)
    deg_inv_sqrt = jnp.where(deg > 0, jnp.power(jnp.maximum(deg, 1e-12), -0.5), 0.0)
    norm = deg_inv_sqrt[row] * deg_inv_sqrt[col]
    msg = norm[:, None] * h[col]
    aggr = jnp.zeros((N, h.shape[1]), dtype=x.dtype).at[row].add(msg)
    x_node = _mlp(params['mlp2'], aggr)
    # dag-level: global_add_pool over batch ids
    x_combined = jnp.concatenate([x, x_node], axis=1)
    num_graphs = job_indptr.shape[0] - 1
    y = jax.ops.segment_sum(x_combined, batch, num_segments=num_graphs)
    y = _mlp(params['mlp_dag'], y)
    # global: segment_add_csr over job_indptr
    n_jobs = job_indptr.shape[0] - 1
    counts = jnp.diff(job_indptr)
    seg = jnp.repeat(jnp.arange(n_jobs), counts, total_repeat_length=num_graphs)
    z = jax.ops.segment_sum(y, seg, num_segments=n_jobs)
    z = _mlp(params['mlp_global'], z)
    return (x_node, y, z)

if __name__ == "__main__":
    import jax
    _d = setup_inputs()
    print(jax.jit(kernel)(*tuple(_d.values())))

</pallas_src>

<mosaic_0001>
#map = affine_map<(d0, d1) -> (0)>
#map1 = affine_map<(d0, d1) -> (0, 0, 0)>
module attributes {stable_mosaic.version = 14 : i64} {
  func.func @_deg_body(%arg0: i32, %arg1: i32, %arg2: memref<320000xi32, #tpu.memory_space<hbm>>, %arg3: memref<40000xf32, #tpu.memory_space<hbm>>, %arg4: memref<2x16x10000xf32, #tpu.memory_space<hbm>>, %arg5: memref<2000xi32, #tpu.memory_space<vmem>>, %arg6: memref<2000xi32, #tpu.memory_space<vmem>>, %arg7: memref<10000xf32, #tpu.memory_space<vmem>>, %arg8: memref<!tpu.dma_semaphore, #tpu.memory_space<semaphore_mem>>, %arg9: memref<!tpu.dma_semaphore, #tpu.memory_space<semaphore_mem>>) attributes {dimension_semantics = [#tpu.dimension_semantics<core_parallel>, #tpu.dimension_semantics<subcore_parallel>], iteration_bounds = array<i64: 2, 16>, scalar_prefetch = 0 : i64, scratch_operands = 5 : i64, tpu.core_type = #tpu.core_type<sc_vector_subcore>, window_params = [{transform_indices = #map}, {transform_indices = #map}, {transform_indices = #map1}]} {
    %mul3A = arith.constant 16 : i32
    %mul3A_0 = arith.muli %arg0, %mul3A : i32
    %add3A = arith.addi %mul3A_0, %arg1 : i32
    %mul3A_1 = arith.constant 10000 : i32
    %mul3A_2 = arith.muli %add3A, %mul3A_1 : i32
    "tpu.region"() ({
      %run_scoped3A = tpu.sem_alloc : memref<!tpu.dma_semaphore, #tpu.memory_space<semaphore_mem>>
      %dma_start3A_46 = arith.constant 0 : i32
      %dma_start3A_47 = tpu.memref_slice %arg3[%dma_start3A_46] : memref<40000xf32, #tpu.memory_space<hbm>> -> memref<10000xf32, #tpu.memory_space<hbm>>
      %dma_start3A_48 = arith.constant 0 : i32
      %dma_start3A_49 = tpu.memref_slice %arg3[%dma_start3A_48] : memref<40000xf32, #tpu.memory_space<hbm>> -> memref<10000xf32, #tpu.memory_space<hbm>>
      tpu.enqueue_dma source(%dma_start3A_49 : memref<10000xf32, #tpu.memory_space<hbm>>) target(%arg7 : memref<10000xf32, #tpu.memory_space<vmem>>) target_semaphore(%run_scoped3A : memref<!tpu.dma_semaphore, #tpu.memory_space<semaphore_mem>>)
      %dma_wait3A_50 = arith.constant 0 : i32
      %dma_wait3A_51 = tpu.memref_slice %arg3[%dma_wait3A_50] : memref<40000xf32, #tpu.memory_space<hbm>> -> memref<10000xf32, #tpu.memory_space<hbm>>
      %dma_wait3A_52 = arith.constant 0 : i32
      %dma_wait3A_53 = tpu.memref_slice %arg3[%dma_wait3A_52] : memref<40000xf32, #tpu.memory_space<hbm>> -> memref<10000xf32, #tpu.memory_space<hbm>>
      tpu.wait_dma2 semaphore(%run_scoped3A : memref<!tpu.dma_semaphore, #tpu.memory_space<semaphore_mem>>) src(%dma_wait3A_53 : memref<10000xf32, #tpu.memory_space<hbm>>) dst(%arg7 : memref<10000xf32, #tpu.memory_space<vmem>>)
      tpu.yield
    }) : () -> ()
    %broadcast_in_dim3A = arith.constant 1.000000e+00 : f32
    %broadcast_in_dim3A_3 = vector.broadcast %broadcast_in_dim3A : f32 to vector<16xf32>
    %add3A_4 = arith.constant 0 : i32
    %add3A_5 = arith.addi %mul3A_2, %add3A_4 : i32
    %dma_start3A = tpu.memref_slice %arg2[%add3A_5] : memref<320000xi32, #tpu.memory_space<hbm>> -> memref<2000xi32, #tpu.memory_space<hbm>>
    %dma_start3A_6 = tpu.memref_slice %arg2[%add3A_5] : memref<320000xi32, #tpu.memory_space<hbm>> -> memref<2000xi32, #tpu.memory_space<hbm>>
    tpu.enqueue_dma source(%dma_start3A_6 : memref<2000xi32, #tpu.memory_space<hbm>>) target(%arg5 : memref<2000xi32, #tpu.memory_space<vmem>>) target_semaphore(%arg8 : memref<!tpu.dma_semaphore, #tpu.memory_space<semaphore_mem>>)
    %dma_wait3A = tpu.memref_slice %arg2[%add3A_5] : memref<320000xi32, #tpu.memory_space<hbm>> -> memref<2000xi32, #tpu.memory_space<hbm>>
    %dma_wait3A_7 = tpu.memref_slice %arg2[%add3A_5] : memref<320000xi32, #tpu.memory_space<hbm>> -> memref<2000xi32, #tpu.memory_space<hbm>>
    tpu.wait_dma2 semaphore(%arg8 : memref<!tpu.dma_semaphore, #tpu.memory_space<semaphore_mem>>) src(%dma_wait3A_7 : memref<2000xi32, #tpu.memory_space<hbm>>) dst(%arg5 : memref<2000xi32, #tpu.memory_space<vmem>>)
    %add3A_8 = arith.constant 2000 : i32
    %add3A_9 = arith.addi %mul3A_2, %add3A_8 : i32
    %dma_start3A_10 = tpu.memref_slice %arg2[%add3A_9] : memref<320000xi32, #tpu.memory_space<hbm>> -> memref<2000xi32, #tpu.memory_space<hbm>>
    %dma_start3A_11 = tpu.memref_slice %arg2[%add3A_9] : memref<320000xi32, #tpu.memory_space<hbm>> -> memref<2000xi32, #tpu.memory_space<hbm>>
    tpu.enqueue_dma source(%dma_start3A_11 : memref<2000xi32, #tpu.memory_space<hbm>>) target(%arg6 : memref<2000xi32, #tpu.memory_space<vmem>>) target_semaphore(%arg9 : memref<!tpu.dma_semaphore, #tpu.memory_space<semaphore_mem>>)
    %parallel_loop3A = arith.constant 0 : i32
    %parallel_loop3A_12 = arith.constant 125 : i32
    %parallel_loop3A_13 = arith.constant 1 : i32
    scf.for %parallel_loop3A_46 = %parallel_loop3A to %parallel_loop3A_12 step %parallel_loop3A_13  : i32 {
      %parallel_loop3A_47 = arith.constant 16 : i32
      %parallel_loop3A_48 = arith.muli %parallel_loop3A_46, %parallel_loop3A_47 : i32
      %parallel_loop3A_49 = arith.index_cast %parallel_loop3A_48 : i32 to index
      %parallel_loop3A_50 = tpu.vector_load %arg5[%parallel_loop3A_49] {strides = array<i32>} : memref<2000xi32, #tpu.memory_space<vmem>>, vector<16xi32>,
      tpu.vector_store_idx %arg7[%parallel_loop3A_50], %broadcast_in_dim3A_3 {add = true} : memref<10000xf32, #tpu.memory_space<vmem>>[vector<16xi32>], vector<16xf32>,
    } {sc.loop_unroll_factor = 5 : i64, sc.parallel_access}
    %dma_wait3A_14 = tpu.memref_slice %arg2[%add3A_9] : memref<320000xi32, #tpu.memory_space<hbm>> -> memref<2000xi32, #tpu.memory_space<hbm>>
    %dma_wait3A_15 = tpu.memref_slice %arg2[%add3A_9] : memref<320000xi32, #tpu.memory_space<hbm>> -> memref<2000xi32, #tpu.memory_space<hbm>>
    tpu.wait_dma2 semaphore(%arg9 : memref<!tpu.dma_semaphore, #tpu.memory_space<semaphore_mem>>) src(%dma_wait3A_15 : memref<2000xi32, #tpu.memory_space<hbm>>) dst(%arg6 : memref<2000xi32, #tpu.memory_space<vmem>>)
    %add3A_16 = arith.constant 4000 : i32
    %add3A_17 = arith.addi %mul3A_2, %add3A_16 : i32
    %dma_start3A_18 = tpu.memref_slice %arg2[%add3A_17] : memref<320000xi32, #tpu.memory_space<hbm>> -> memref<2000xi32, #tpu.memory_space<hbm>>
    %dma_start3A_19 = tpu.memref_slice %arg2[%add3A_17] : memref<320000xi32, #tpu.memory_space<hbm>> -> memref<2000xi32, #tpu.memory_space<hbm>>
    tpu.enqueue_dma source(%dma_start3A_19 : memref<2000xi32, #tpu.memory_space<hbm>>) target(%arg5 : memref<2000xi32, #tpu.memory_space<vmem>>) target_semaphore(%arg8 : memref<!tpu.dma_semaphore, #tpu.memory_space<semaphore_mem>>)
    %parallel_loop3A_20 = arith.constant 0 : i32
    %parallel_loop3A_21 = arith.constant 125 : i32
    %parallel_loop3A_22 = arith.constant 1 : i32
    scf.for %parallel_loop3A_46 = %parallel_loop3A_20 to %parallel_loop3A_21 step %parallel_loop3A_22  : i32 {
      %parallel_loop3A_47 = arith.constant 16 : i32
      %parallel_loop3A_48 = arith.muli %parallel_loop3A_46, %parallel_loop3A_47 : i32
      %parallel_loop3A_49 = arith.index_cast %parallel_loop3A_48 : i32 to index
      %parallel_loop3A_50 = tpu.vector_load %arg6[%parallel_loop3A_49] {strides = array<i32>} : memref<2000xi32, #tpu.memory_space<vmem>>, vector<16xi32>,
      tpu.vector_store_idx %arg7[%parallel_loop3A_50], %broadcast_in_dim3A_3 {add = true} : memref<10000xf32, #tpu.memory_space<vmem>>[vector<16xi32>], vector<16xf32>,
    } {sc.loop_unroll_factor = 5 : i64, sc.parallel_access}
    %dma_wait3A_23 = tpu.memref_slice %arg2[%add3A_17] : memref<320000xi32, #tpu.memory_space<hbm>> -> memref<2000xi32, #tpu.memory_space<hbm>>
    %dma_wait3A_24 = tpu.memref_slice %arg2[%add3A_17] : memref<320000xi32, #tpu.memory_space<hbm>> -> memref<2000xi32, #tpu.memory_space<hbm>>
    tpu.wait_dma2 semaphore(%arg8 : memref<!tpu.dma_semaphore, #tpu.memory_space<semaphore_mem>>) src(%dma_wait3A_24 : memref<2000xi32, #tpu.memory_space<hbm>>) dst(%arg5 : memref<2000xi32, #tpu.memory_space<vmem>>)
    %add3A_25 = arith.constant 6000 : i32
    %add3A_26 = arith.addi %mul3A_2, %add3A_25 : i32
    %dma_start3A_27 = tpu.memref_slice %arg2[%add3A_26] : memref<320000xi32, #tpu.memory_space<hbm>> -> memref<2000xi32, #tpu.memory_space<hbm>>
    %dma_start3A_28 = tpu.memref_slice %arg2[%add3A_26] : memref<320000xi32, #tpu.memory_space<hbm>> -> memref<2000xi32, #tpu.memory_space<hbm>>
    tpu.enqueue_dma source(%dma_start3A_28 : memref<2000xi32, #tpu.memory_space<hbm>>) target(%arg6 : memref<2000xi32, #tpu.memory_space<vmem>>) target_semaphore(%arg9 : memref<!tpu.dma_semaphore, #tpu.memory_space<semaphore_mem>>)
    %parallel_loop3A_29 = arith.constant 0 : i32
    %parallel_loop3A_30 = arith.constant 125 : i32
    %parallel_loop3A_31 = arith.constant 1 : i32
    scf.for %parallel_loop3A_46 = %parallel_loop3A_29 to %parallel_loop3A_30 step %parallel_loop3A_31  : i32 {
      %parallel_loop3A_47 = arith.constant 16 : i32
      %parallel_loop3A_48 = arith.muli %parallel_loop3A_46, %parallel_loop3A_47 : i32
      %parallel_loop3A_49 = arith.index_cast %parallel_loop3A_48 : i32 to index
      %parallel_loop3A_50 = tpu.vector_load %arg5[%parallel_loop3A_49] {strides = array<i32>} : memref<2000xi32, #tpu.memory_space<vmem>>, vector<16xi32>,
      tpu.vector_store_idx %arg7[%parallel_loop3A_50], %broadcast_in_dim3A_3 {add = true} : memref<10000xf32, #tpu.memory_space<vmem>>[vector<16xi32>], vector<16xf32>,
    } {sc.loop_unroll_factor = 5 : i64, sc.parallel_access}
    %dma_wait3A_32 = tpu.memref_slice %arg2[%add3A_26] : memref<320000xi32, #tpu.memory_space<hbm>> -> memref<2000xi32, #tpu.memory_space<hbm>>
    %dma_wait3A_33 = tpu.memref_slice %arg2[%add3A_26] : memref<320000xi32, #tpu.memory_space<hbm>> -> memref<2000xi32, #tpu.memory_space<hbm>>
    tpu.wait_dma2 semaphore(%arg9 : memref<!tpu.dma_semaphore, #tpu.memory_space<semaphore_mem>>) src(%dma_wait3A_33 : memref<2000xi32, #tpu.memory_space<hbm>>) dst(%arg6 : memref<2000xi32, #tpu.memory_space<vmem>>)
    %add3A_34 = arith.constant 8000 : i32
    %add3A_35 = arith.addi %mul3A_2, %add3A_34 : i32
    %dma_start3A_36 = tpu.memref_slice %arg2[%add3A_35] : memref<320000xi32, #tpu.memory_space<hbm>> -> memref<2000xi32, #tpu.memory_space<hbm>>
    %dma_start3A_37 = tpu.memref_slice %arg2[%add3A_35] : memref<320000xi32, #tpu.memory_space<hbm>> -> memref<2000xi32, #tpu.memory_space<hbm>>
    tpu.enqueue_dma source(%dma_start3A_37 : memref<2000xi32, #tpu.memory_space<hbm>>) target(%arg5 : memref<2000xi32, #tpu.memory_space<vmem>>) target_semaphore(%arg8 : memref<!tpu.dma_semaphore, #tpu.memory_space<semaphore_mem>>)
    %parallel_loop3A_38 = arith.constant 0 : i32
    %parallel_loop3A_39 = arith.constant 125 : i32
    %parallel_loop3A_40 = arith.constant 1 : i32
    scf.for %parallel_loop3A_46 = %parallel_loop3A_38 to %parallel_loop3A_39 step %parallel_loop3A_40  : i32 {
      %parallel_loop3A_47 = arith.constant 16 : i32
      %parallel_loop3A_48 = arith.muli %parallel_loop3A_46, %parallel_loop3A_47 : i32
      %parallel_loop3A_49 = arith.index_cast %parallel_loop3A_48 : i32 to index
      %parallel_loop3A_50 = tpu.vector_load %arg6[%parallel_loop3A_49] {strides = array<i32>} : memref<2000xi32, #tpu.memory_space<vmem>>, vector<16xi32>,
      tpu.vector_store_idx %arg7[%parallel_loop3A_50], %broadcast_in_dim3A_3 {add = true} : memref<10000xf32, #tpu.memory_space<vmem>>[vector<16xi32>], vector<16xf32>,
    } {sc.loop_unroll_factor = 5 : i64, sc.parallel_access}
    %dma_wait3A_41 = tpu.memref_slice %arg2[%add3A_35] : memref<320000xi32, #tpu.memory_space<hbm>> -> memref<2000xi32, #tpu.memory_space<hbm>>
    %dma_wait3A_42 = tpu.memref_slice %arg2[%add3A_35] : memref<320000xi32, #tpu.memory_space<hbm>> -> memref<2000xi32, #tpu.memory_space<hbm>>
    tpu.wait_dma2 semaphore(%arg8 : memref<!tpu.dma_semaphore, #tpu.memory_space<semaphore_mem>>) src(%dma_wait3A_42 : memref<2000xi32, #tpu.memory_space<hbm>>) dst(%arg5 : memref<2000xi32, #tpu.memory_space<vmem>>)
    %parallel_loop3A_43 = arith.constant 0 : i32
    %parallel_loop3A_44 = arith.constant 125 : i32
    %parallel_loop3A_45 = arith.constant 1 : i32
    scf.for %parallel_loop3A_46 = %parallel_loop3A_43 to %parallel_loop3A_44 step %parallel_loop3A_45  : i32 {
      %parallel_loop3A_47 = arith.constant 16 : i32
      %parallel_loop3A_48 = arith.muli %parallel_loop3A_46, %parallel_loop3A_47 : i32
      %parallel_loop3A_49 = arith.index_cast %parallel_loop3A_48 : i32 to index
      %parallel_loop3A_50 = tpu.vector_load %arg5[%parallel_loop3A_49] {strides = array<i32>} : memref<2000xi32, #tpu.memory_space<vmem>>, vector<16xi32>,
      tpu.vector_store_idx %arg7[%parallel_loop3A_50], %broadcast_in_dim3A_3 {add = true} : memref<10000xf32, #tpu.memory_space<vmem>>[vector<16xi32>], vector<16xf32>,
    } {sc.loop_unroll_factor = 5 : i64, sc.parallel_access}
    "tpu.region"() ({
      %run_scoped3A = tpu.sem_alloc : memref<!tpu.dma_semaphore, #tpu.memory_space<semaphore_mem>>
      %dma_start3A_46 = arith.constant 0 : i32
      %dma_start3A_47 = tpu.memref_slice %arg4[%arg0, %arg1, %dma_start3A_46] : memref<2x16x10000xf32, #tpu.memory_space<hbm>> -> memref<1x1x10000xf32, #tpu.memory_space<hbm>>
      %dma_start3A_48 = tpu.memref_squeeze %dma_start3A_47 : memref<1x1x10000xf32, #tpu.memory_space<hbm>> -> memref<10000xf32, #tpu.memory_space<hbm>>
      %dma_start3A_49 = arith.constant 0 : i32
      %dma_start3A_50 = tpu.memref_slice %arg4[%arg0, %arg1, %dma_start3A_49] : memref<2x16x10000xf32, #tpu.memory_space<hbm>> -> memref<1x1x10000xf32, #tpu.memory_space<hbm>>
      %dma_start3A_51 = tpu.memref_squeeze %dma_start3A_50 : memref<1x1x10000xf32, #tpu.memory_space<hbm>> -> memref<10000xf32, #tpu.memory_space<hbm>>
      tpu.enqueue_dma source(%arg7 : memref<10000xf32, #tpu.memory_space<vmem>>) target(%dma_start3A_51 : memref<10000xf32, #tpu.memory_space<hbm>>) target_semaphore(%run_scoped3A : memref<!tpu.dma_semaphore, #tpu.memory_space<semaphore_mem>>)
      %dma_wait3A_52 = arith.constant 0 : i32
      %dma_wait3A_53 = tpu.memref_slice %arg4[%arg0, %arg1, %dma_wait3A_52] : memref<2x16x10000xf32, #tpu.memory_space<hbm>> -> memref<1x1x10000xf32, #tpu.memory_space<hbm>>
      %dma_wait3A_54 = tpu.memref_squeeze %dma_wait3A_53 : memref<1x1x10000xf32, #tpu.memory_space<hbm>> -> memref<10000xf32, #tpu.memory_space<hbm>>
      %dma_wait3A_55 = arith.constant 0 : i32
      %dma_wait3A_56 = tpu.memref_slice %arg4[%arg0, %arg1, %dma_wait3A_55] : memref<2x16x10000xf32, #tpu.memory_space<hbm>> -> memref<1x1x10000xf32, #tpu.memory_space<hbm>>
      %dma_wait3A_57 = tpu.memref_squeeze %dma_wait3A_56 : memref<1x1x10000xf32, #tpu.memory_space<hbm>> -> memref<10000xf32, #tpu.memory_space<hbm>>
      tpu.wait_dma2 semaphore(%run_scoped3A : memref<!tpu.dma_semaphore, #tpu.memory_space<semaphore_mem>>) src(%arg7 : memref<10000xf32, #tpu.memory_space<vmem>>) dst(%dma_wait3A_57 : memref<10000xf32, #tpu.memory_space<hbm>>)
      tpu.yield
    }) : () -> ()
    return
  }
}

#map = affine_map<(d0, d1) -> (0)>
#map1 = affine_map<(d0, d1) -> (0, 0, 0)>
module attributes {stable_mosaic.version = 14 : i64} {
  func.func @_edge_body(%arg0: i32, %arg1: i32, %arg2: memref<40000xf32, #tpu.memory_space<hbm>>, %arg3: memref<40000xf32, #tpu.memory_space<hbm>>, %arg4: memref<320000xi32, #tpu.memory_space<hbm>>, %arg5: memref<320000xi32, #tpu.memory_space<hbm>>, %arg6: memref<40000xf32, #tpu.memory_space<hbm>>, %arg7: memref<2x16x40000xf32, #tpu.memory_space<hbm>>, %arg8: memref<4000xi32, #tpu.memory_space<vmem>>, %arg9: memref<4000xi32, #tpu.memory_space<vmem>>, %arg10: memref<4000xi32, #tpu.memory_space<vmem>>, %arg11: memref<4000xi32, #tpu.memory_space<vmem>>, %arg12: memref<40000xf32, #tpu.memory_space<vmem>>, %arg13: memref<40000xf32, #tpu.memory_space<vmem>>, %arg14: memref<!tpu.dma_semaphore, #tpu.memory_space<semaphore_mem>>, %arg15: memref<!tpu.dma_semaphore, #tpu.memory_space<semaphore_mem>>) attributes {dimension_semantics = [#tpu.dimension_semantics<core_parallel>, #tpu.dimension_semantics<subcore_parallel>], iteration_bounds = array<i64: 2, 16>, scalar_prefetch = 0 : i64, scratch_operands = 8 : i64, tpu.core_type = #tpu.core_type<sc_vector_subcore>, window_params = [{transform_indices = #map}, {transform_indices = #map}, {transform_indices = #map}, {transform_indices = #map}, {transform_indices = #map}, {transform_indices = #map1}]} {
    %eq3A = arith.constant 0 : i32
    %eq3A_0 = arith.cmpi eq, %arg0, %eq3A : i32
    %convert_element_type3A = arith.extui %eq3A_0 : i1 to i32
    %cond3A = arith.constant 0 : i32
    %cond3A_1 = arith.cmpi ne, %convert_element_type3A, %cond3A : i32
    scf.if %cond3A_1 {
      "tpu.region"() ({
        %run_scoped3A = tpu.sem_alloc : memref<!tpu.dma_semaphore, #tpu.memory_space<semaphore_mem>>
        tpu.enqueue_dma source(%arg2 : memref<40000xf32, #tpu.memory_space<hbm>>) target(%arg12 : memref<40000xf32, #tpu.memory_space<vmem>>) target_semaphore(%run_scoped3A : memref<!tpu.dma_semaphore, #tpu.memory_space<semaphore_mem>>)
        tpu.wait_dma2 semaphore(%run_scoped3A : memref<!tpu.dma_semaphore, #tpu.memory_space<semaphore_mem>>) src(%arg2 : memref<40000xf32, #tpu.memory_space<hbm>>) dst(%arg12 : memref<40000xf32, #tpu.memory_space<vmem>>)
        tpu.yield
      }) : () -> ()
    } else {
    }
    %eq3A_2 = arith.constant 1 : i32
    %eq3A_3 = arith.cmpi eq, %arg0, %eq3A_2 : i32
    %convert_element_type3A_4 = arith.extui %eq3A_3 : i1 to i32
    %cond3A_5 = arith.constant 0 : i32
    %cond3A_6 = arith.cmpi ne, %convert_element_type3A_4, %cond3A_5 : i32
    scf.if %cond3A_6 {
      "tpu.region"() ({
        %run_scoped3A = tpu.sem_alloc : memref<!tpu.dma_semaphore, #tpu.memory_space<semaphore_mem>>
        tpu.enqueue_dma source(%arg3 : memref<40000xf32, #tpu.memory_space<hbm>>) target(%arg12 : memref<40000xf32, #tpu.memory_space<vmem>>) target_semaphore(%run_scoped3A : memref<!tpu.dma_semaphore, #tpu.memory_space<semaphore_mem>>)
        tpu.wait_dma2 semaphore(%run_scoped3A : memref<!tpu.dma_semaphore, #tpu.memory_space<semaphore_mem>>) src(%arg3 : memref<40000xf32, #tpu.memory_space<hbm>>) dst(%arg12 : memref<40000xf32, #tpu.memory_space<vmem>>)
        tpu.yield
      }) : () -> ()
    } else {
    }
    "tpu.region"() ({
      %run_scoped3A = tpu.sem_alloc : memref<!tpu.dma_semaphore, #tpu.memory_space<semaphore_mem>>
      tpu.enqueue_dma source(%arg6 : memref<40000xf32, #tpu.memory_space<hbm>>) target(%arg13 : memref<40000xf32, #tpu.memory_space<vmem>>) target_semaphore(%run_scoped3A : memref<!tpu.dma_semaphore, #tpu.memory_space<semaphore_mem>>)
      tpu.wait_dma2 semaphore(%run_scoped3A : memref<!tpu.dma_semaphore, #tpu.memory_space<semaphore_mem>>) src(%arg6 : memref<40000xf32, #tpu.memory_space<hbm>>) dst(%arg13 : memref<40000xf32, #tpu.memory_space<vmem>>)
      tpu.yield
    }) : () -> ()
    %mul3A = arith.constant 20000 : i32
    %mul3A_7 = arith.muli %arg1, %mul3A : i32
    %add3A = arith.constant 0 : i32
    %add3A_8 = arith.addi %mul3A_7, %add3A : i32
    %dma_start3A = tpu.memref_slice %arg4[%add3A_8] : memref<320000xi32, #tpu.memory_space<hbm>> -> memref<4000xi32, #tpu.memory_space<hbm>>
    %dma_start3A_9 = tpu.memref_slice %arg4[%add3A_8] : memref<320000xi32, #tpu.memory_space<hbm>> -> memref<4000xi32, #tpu.memory_space<hbm>>
    tpu.enqueue_dma source(%dma_start3A_9 : memref<4000xi32, #tpu.memory_space<hbm>>) target(%arg8 : memref<4000xi32, #tpu.memory_space<vmem>>) target_semaphore(%arg14 : memref<!tpu.dma_semaphore, #tpu.memory_space<semaphore_mem>>)
    %dma_start3A_10 = tpu.memref_slice %arg5[%add3A_8] : memref<320000xi32, #tpu.memory_space<hbm>> -> memref<4000xi32, #tpu.memory_space<hbm>>
    %dma_start3A_11 = tpu.memref_slice %arg5[%add3A_8] : memref<320000xi32, #tpu.memory_space<hbm>> -> memref<4000xi32, #tpu.memory_space<hbm>>
    tpu.enqueue_dma source(%dma_start3A_11 : memref<4000xi32, #tpu.memory_space<hbm>>) target(%arg9 : memref<4000xi32, #tpu.memory_space<vmem>>) target_semaphore(%arg14 : memref<!tpu.dma_semaphore, #tpu.memory_space<semaphore_mem>>)
    %dma_wait3A = tpu.memref_slice %arg4[%add3A_8] : memref<320000xi32, #tpu.memory_space<hbm>> -> memref<4000xi32, #tpu.memory_space<hbm>>
    %dma_wait3A_12 = tpu.memref_slice %arg4[%add3A_8] : memref<320000xi32, #tpu.memory_space<hbm>> -> memref<4000xi32, #tpu.memory_space<hbm>>
    tpu.wait_dma2 semaphore(%arg14 : memref<!tpu.dma_semaphore, #tpu.memory_space<semaphore_mem>>) src(%dma_wait3A_12 : memref<4000xi32, #tpu.memory_space<hbm>>) dst(%arg8 : memref<4000xi32, #tpu.memory_space<vmem>>)
    %dma_wait3A_13 = tpu.memref_slice %arg5[%add3A_8] : memref<320000xi32, #tpu.memory_space<hbm>> -> memref<4000xi32, #tpu.memory_space<hbm>>
    %dma_wait3A_14 = tpu.memref_slice %arg5[%add3A_8] : memref<320000xi32, #tpu.memory_space<hbm>> -> memref<4000xi32, #tpu.memory_space<hbm>>
    tpu.wait_dma2 semaphore(%arg14 : memref<!tpu.dma_semaphore, #tpu.memory_space<semaphore_mem>>) src(%dma_wait3A_14 : memref<4000xi32, #tpu.memory_space<hbm>>) dst(%arg9 : memref<4000xi32, #tpu.memory_space<vmem>>)
    %add3A_15 = arith.constant 4000 : i32
    %add3A_16 = arith.addi %mul3A_7, %add3A_15 : i32
    %dma_start3A_17 = tpu.memref_slice %arg4[%add3A_16] : memref<320000xi32, #tpu.memory_space<hbm>> -> memref<4000xi32, #tpu.memory_space<hbm>>
    %dma_start3A_18 = tpu.memref_slice %arg4[%add3A_16] : memref<320000xi32, #tpu.memory_space<hbm>> -> memref<4000xi32, #tpu.memory_space<hbm>>
    tpu.enqueue_dma source(%dma_start3A_18 : memref<4000xi32, #tpu.memory_space<hbm>>) target(%arg10 : memref<4000xi32, #tpu.memory_space<vmem>>) target_semaphore(%arg15 : memref<!tpu.dma_semaphore, #tpu.memory_space<semaphore_mem>>)
    %dma_start3A_19 = tpu.memref_slice %arg5[%add3A_16] : memref<320000xi32, #tpu.memory_space<hbm>> -> memref<4000xi32, #tpu.memory_space<hbm>>
    %dma_start3A_20 = tpu.memref_slice %arg5[%add3A_16] : memref<320000xi32, #tpu.memory_space<hbm>> -> memref<4000xi32, #tpu.memory_space<hbm>>
    tpu.enqueue_dma source(%dma_start3A_20 : memref<4000xi32, #tpu.memory_space<hbm>>) target(%arg11 : memref<4000xi32, #tpu.memory_space<vmem>>) target_semaphore(%arg15 : memref<!tpu.dma_semaphore, #tpu.memory_space<semaphore_mem>>)
    %parallel_loop3A = arith.constant 0 : i32
    %parallel_loop3A_21 = arith.constant 250 : i32
    %parallel_loop3A_22 = arith.constant 1 : i32
    scf.for %parallel_loop3A_69 = %parallel_loop3A to %parallel_loop3A_21 step %parallel_loop3A_22  : i32 {
      %parallel_loop3A_70 = arith.constant 16 : i32
      %parallel_loop3A_71 = arith.muli %parallel_loop3A_69, %parallel_loop3A_70 : i32
      %parallel_loop3A_72 = arith.index_cast %parallel_loop3A_71 : i32 to index
      %parallel_loop3A_73 = tpu.vector_load %arg8[%parallel_loop3A_72] {strides = array<i32>} : memref<4000xi32, #tpu.memory_space<vmem>>, vector<16xi32>,
      %parallel_loop3A_74 = arith.constant 4 : i32
      %parallel_loop3A_75 = vector.broadcast %parallel_loop3A_74 : i32 to vector<16xi32>
      %parallel_loop3A_76 = arith.muli %parallel_loop3A_73, %parallel_loop3A_75 : vector<16xi32>
      %parallel_loop3A_77 = arith.constant 16 : i32
      %parallel_loop3A_78 = arith.muli %parallel_loop3A_69, %parallel_loop3A_77 : i32
      %parallel_loop3A_79 = arith.index_cast %parallel_loop3A_78 : i32 to index
      %parallel_loop3A_80 = tpu.vector_load %arg9[%parallel_loop3A_79] {strides = array<i32>} : memref<4000xi32, #tpu.memory_space<vmem>>, vector<16xi32>,
      %parallel_loop3A_81 = arith.constant 4 : i32
      %parallel_loop3A_82 = vector.broadcast %parallel_loop3A_81 : i32 to vector<16xi32>
      %parallel_loop3A_83 = arith.muli %parallel_loop3A_80, %parallel_loop3A_82 : vector<16xi32>
      %parallel_loop3A_84 = arith.constant 0 : i32
      %parallel_loop3A_85 = vector.broadcast %parallel_loop3A_84 : i32 to vector<16xi32>
      %parallel_loop3A_86 = arith.addi %parallel_loop3A_83, %parallel_loop3A_85 : vector<16xi32>
      %parallel_loop3A_87 = tpu.vector_load_idx %arg12[%parallel_loop3A_86] : memref<40000xf32, #tpu.memory_space<vmem>>[vector<16xi32>], vector<16xf32>,
      %parallel_loop3A_88 = arith.constant 0 : i32
      %parallel_loop3A_89 = vector.broadcast %parallel_loop3A_88 : i32 to vector<16xi32>
      %parallel_loop3A_90 = arith.addi %parallel_loop3A_76, %parallel_loop3A_89 : vector<16xi32>
      tpu.vector_store_idx %arg13[%parallel_loop3A_90], %parallel_loop3A_87 {add = true} : memref<40000xf32, #tpu.memory_space<vmem>>[vector<16xi32>], vector<16xf32>,
      %parallel_loop3A_91 = arith.constant 1 : i32
      %parallel_loop3A_92 = vector.broadcast %parallel_loop3A_91 : i32 to vector<16xi32>
      %parallel_loop3A_93 = arith.addi %parallel_loop3A_83, %parallel_loop3A_92 : vector<16xi32>
      %parallel_loop3A_94 = tpu.vector_load_idx %arg12[%parallel_loop3A_93] : memref<40000xf32, #tpu.memory_space<vmem>>[vector<16xi32>], vector<16xf32>,
      %parallel_loop3A_95 = arith.constant 1 : i32
      %parallel_loop3A_96 = vector.broadcast %parallel_loop3A_95 : i32 to vector<16xi32>
      %parallel_loop3A_97 = arith.addi %parallel_loop3A_76, %parallel_loop3A_96 : vector<16xi32>
      tpu.vector_store_idx %arg13[%parallel_loop3A_97], %parallel_loop3A_94 {add = true} : memref<40000xf32, #tpu.memory_space<vmem>>[vector<16xi32>], vector<16xf32>,
      %parallel_loop3A_98 = arith.constant 2 : i32
      %parallel_loop3A_99 = vector.broadcast %parallel_loop3A_98 : i32 to vector<16xi32>
      %parallel_loop3A_100 = arith.addi %parallel_loop3A_83, %parallel_loop3A_99 : vector<16xi32>
      %parallel_loop3A_101 = tpu.vector_load_idx %arg12[%parallel_loop3A_100] : memref<40000xf32, #tpu.memory_space<vmem>>[vector<16xi32>], vector<16xf32>,
      %parallel_loop3A_102 = arith.constant 2 : i32
      %parallel_loop3A_103 = vector.broadcast %parallel_loop3A_102 : i32 to vector<16xi32>
      %parallel_loop3A_104 = arith.addi %parallel_loop3A_76, %parallel_loop3A_103 : vector<16xi32>
      tpu.vector_store_idx %arg13[%parallel_loop3A_104], %parallel_loop3A_101 {add = true} : memref<40000xf32, #tpu.memory_space<vmem>>[vector<16xi32>], vector<16xf32>,
      %parallel_loop3A_105 = arith.constant 3 : i32
      %parallel_loop3A_106 = vector.broadcast %parallel_loop3A_105 : i32 to vector<16xi32>
      %parallel_loop3A_107 = arith.addi %parallel_loop3A_83, %parallel_loop3A_106 : vector<16xi32>
      %parallel_loop3A_108 = tpu.vector_load_idx %arg12[%parallel_loop3A_107] : memref<40000xf32, #tpu.memory_space<vmem>>[vector<16xi32>], vector<16xf32>,
      %parallel_loop3A_109 = arith.constant 3 : i32
      %parallel_loop3A_110 = vector.broadcast %parallel_loop3A_109 : i32 to vector<16xi32>
      %parallel_loop3A_111 = arith.addi %parallel_loop3A_76, %parallel_loop3A_110 : vector<16xi32>
      tpu.vector_store_idx %arg13[%parallel_loop3A_111], %parallel_loop3A_108 {add = true} : memref<40000xf32, #tpu.memory_space<vmem>>[vector<16xi32>], vector<16xf32>,
    } {sc.loop_unroll_factor = 5 : i64, sc.parallel_access}
    %dma_wait3A_23 = tpu.memref_slice %arg4[%add3A_16] : memref<320000xi32, #tpu.memory_space<hbm>> -> memref<4000xi32, #tpu.memory_space<hbm>>
    %dma_wait3A_24 = tpu.memref_slice %arg4[%add3A_16] : memref<320000xi32, #tpu.memory_space<hbm>> -> memref<4000xi32, #tpu.memory_space<hbm>>
    tpu.wait_dma2 semaphore(%arg15 : memref<!tpu.dma_semaphore, #tpu.memory_space<semaphore_mem>>) src(%dma_wait3A_24 : memref<4000xi32, #tpu.memory_space<hbm>>) dst(%arg10 : memref<4000xi32, #tpu.memory_space<vmem>>)
    %dma_wait3A_25 = tpu.memref_slice %arg5[%add3A_16] : memref<320000xi32, #tpu.memory_space<hbm>> -> memref<4000xi32, #tpu.memory_space<hbm>>
    %dma_wait3A_26 = tpu.memref_slice %arg5[%add3A_16] : memref<320000xi32, #tpu.memory_space<hbm>> -> memref<4000xi32, #tpu.memory_space<hbm>>
    tpu.wait_dma2 semaphore(%arg15 : memref<!tpu.dma_semaphore, #tpu.memory_space<semaphore_mem>>) src(%dma_wait3A_26 : memref<4000xi32, #tpu.memory_space<hbm>>) dst(%arg11 : memref<4000xi32, #tpu.memory_space<vmem>>)
    %add3A_27 = arith.constant 8000 : i32
    %add3A_28 = arith.addi %mul3A_7, %add3A_27 : i32
    %dma_start3A_29 = tpu.memref_slice %arg4[%add3A_28] : memref<320000xi32, #tpu.memory_space<hbm>> -> memref<4000xi32, #tpu.memory_space<hbm>>
    %dma_start3A_30 = tpu.memref_slice %arg4[%add3A_28] : memref<320000xi32, #tpu.memory_space<hbm>> -> memref<4000xi32, #tpu.memory_space<hbm>>
    tpu.enqueue_dma source(%dma_start3A_30 : memref<4000xi32, #tpu.memory_space<hbm>>) target(%arg8 : memref<4000xi32, #tpu.memory_space<vmem>>) target_semaphore(%arg14 : memref<!tpu.dma_semaphore, #tpu.memory_space<semaphore_mem>>)
    %dma_start3A_31 = tpu.memref_slice %arg5[%add3A_28] : memref<320000xi32, #tpu.memory_space<hbm>> -> memref<4000xi32, #tpu.memory_space<hbm>>
    %dma_start3A_32 = tpu.memref_slice %arg5[%add3A_28] : memref<320000xi32, #tpu.memory_space<hbm>> -> memref<4000xi32, #tpu.memory_space<hbm>>
    tpu.enqueue_dma source(%dma_start3A_32 : memref<4000xi32, #tpu.memory_space<hbm>>) target(%arg9 : memref<4000xi32, #tpu.memory_space<vmem>>) target_semaphore(%arg14 : memref<!tpu.dma_semaphore, #tpu.memory_space<semaphore_mem>>)
    %parallel_loop3A_33 = arith.constant 0 : i32
    %parallel_loop3A_34 = arith.constant 250 : i32
    %parallel_loop3A_35 = arith.constant 1 : i32
    scf.for %parallel_loop3A_69 = %parallel_loop3A_33 to %parallel_loop3A_34 step %parallel_loop3A_35  : i32 {
      %parallel_loop3A_70 = arith.constant 16 : i32
      %parallel_loop3A_71 = arith.muli %parallel_loop3A_69, %parallel_loop3A_70 : i32
      %parallel_loop3A_72 = arith.index_cast %parallel_loop3A_71 : i32 to index
      %parallel_loop3A_73 = tpu.vector_load %arg10[%parallel_loop3A_72] {strides = array<i32>} : memref<4000xi32, #tpu.memory_space<vmem>>, vector<16xi32>,
      %parallel_loop3A_74 = arith.constant 4 : i32
      %parallel_loop3A_75 = vector.broadcast %parallel_loop3A_74 : i32 to vector<16xi32>
      %parallel_loop3A_76 = arith.muli %parallel_loop3A_73, %parallel_loop3A_75 : vector<16xi32>
      %parallel_loop3A_77 = arith.constant 16 : i32
      %parallel_loop3A_78 = arith.muli %parallel_loop3A_69, %parallel_loop3A_77 : i32
      %parallel_loop3A_79 = arith.index_cast %parallel_loop3A_78 : i32 to index
      %parallel_loop3A_80 = tpu.vector_load %arg11[%parallel_loop3A_79] {strides = array<i32>} : memref<4000xi32, #tpu.memory_space<vmem>>, vector<16xi32>,
      %parallel_loop3A_81 = arith.constant 4 : i32
      %parallel_loop3A_82 = vector.broadcast %parallel_loop3A_81 : i32 to vector<16xi32>
      %parallel_loop3A_83 = arith.muli %parallel_loop3A_80, %parallel_loop3A_82 : vector<16xi32>
      %parallel_loop3A_84 = arith.constant 0 : i32
      %parallel_loop3A_85 = vector.broadcast %parallel_loop3A_84 : i32 to vector<16xi32>
      %parallel_loop3A_86 = arith.addi %parallel_loop3A_83, %parallel_loop3A_85 : vector<16xi32>
      %parallel_loop3A_87 = tpu.vector_load_idx %arg12[%parallel_loop3A_86] : memref<40000xf32, #tpu.memory_space<vmem>>[vector<16xi32>], vector<16xf32>,
      %parallel_loop3A_88 = arith.constant 0 : i32
      %parallel_loop3A_89 = vector.broadcast %parallel_loop3A_88 : i32 to vector<16xi32>
      %parallel_loop3A_90 = arith.addi %parallel_loop3A_76, %parallel_loop3A_89 : vector<16xi32>
      tpu.vector_store_idx %arg13[%parallel_loop3A_90], %parallel_loop3A_87 {add = true} : memref<40000xf32, #tpu.memory_space<vmem>>[vector<16xi32>], vector<16xf32>,
      %parallel_loop3A_91 = arith.constant 1 : i32
      %parallel_loop3A_92 = vector.broadcast %parallel_loop3A_91 : i32 to vector<16xi32>
      %parallel_loop3A_93 = arith.addi %parallel_loop3A_83, %parallel_loop3A_92 : vector<16xi32>
      %parallel_loop3A_94 = tpu.vector_load_idx %arg12[%parallel_loop3A_93] : memref<40000xf32, #tpu.memory_space<vmem>>[vector<16xi32>], vector<16xf32>,
      %parallel_loop3A_95 = arith.constant 1 : i32
      %parallel_loop3A_96 = vector.broadcast %parallel_loop3A_95 : i32 to vector<16xi32>
      %parallel_loop3A_97 = arith.addi %parallel_loop3A_76, %parallel_loop3A_96 : vector<16xi32>
      tpu.vector_store_idx %arg13[%parallel_loop3A_97], %parallel_loop3A_94 {add = true} : memref<40000xf32, #tpu.memory_space<vmem>>[vector<16xi32>], vector<16xf32>,
      %parallel_loop3A_98 = arith.constant 2 : i32
      %parallel_loop3A_99 = vector.broadcast %parallel_loop3A_98 : i32 to vector<16xi32>
      %parallel_loop3A_100 = arith.addi %parallel_loop3A_83, %parallel_loop3A_99 : vector<16xi32>
      %parallel_loop3A_101 = tpu.vector_load_idx %arg12[%parallel_loop3A_100] : memref<40000xf32, #tpu.memory_space<vmem>>[vector<16xi32>], vector<16xf32>,
      %parallel_loop3A_102 = arith.constant 2 : i32
      %parallel_loop3A_103 = vector.broadcast %parallel_loop3A_102 : i32 to vector<16xi32>
      %parallel_loop3A_104 = arith.addi %parallel_loop3A_76, %parallel_loop3A_103 : vector<16xi32>
      tpu.vector_store_idx %arg13[%parallel_loop3A_104], %parallel_loop3A_101 {add = true} : memref<40000xf32, #tpu.memory_space<vmem>>[vector<16xi32>], vector<16xf32>,
      %parallel_loop3A_105 = arith.constant 3 : i32
      %parallel_loop3A_106 = vector.broadcast %parallel_loop3A_105 : i32 to vector<16xi32>
      %parallel_loop3A_107 = arith.addi %parallel_loop3A_83, %parallel_loop3A_106 : vector<16xi32>
      %parallel_loop3A_108 = tpu.vector_load_idx %arg12[%parallel_loop3A_107] : memref<40000xf32, #tpu.memory_space<vmem>>[vector<16xi32>], vector<16xf32>,
      %parallel_loop3A_109 = arith.constant 3 : i32
      %parallel_loop3A_110 = vector.broadcast %parallel_loop3A_109 : i32 to vector<16xi32>
      %parallel_loop3A_111 = arith.addi %parallel_loop3A_76, %parallel_loop3A_110 : vector<16xi32>
      tpu.vector_store_idx %arg13[%parallel_loop3A_111], %parallel_loop3A_108 {add = true} : memref<40000xf32, #tpu.memory_space<vmem>>[vector<16xi32>], vector<16xf32>,
    } {sc.loop_unroll_factor = 5 : i64, sc.parallel_access}
    %dma_wait3A_36 = tpu.memref_slice %arg4[%add3A_28] : memref<320000xi32, #tpu.memory_space<hbm>> -> memref<4000xi32, #tpu.memory_space<hbm>>
    %dma_wait3A_37 = tpu.memref_slice %arg4[%add3A_28] : memref<320000xi32, #tpu.memory_space<hbm>> -> memref<4000xi32, #tpu.memory_space<hbm>>
    tpu.wait_dma2 semaphore(%arg14 : memref<!tpu.dma_semaphore, #tpu.memory_space<semaphore_mem>>) src(%dma_wait3A_37 : memref<4000xi32, #tpu.memory_space<hbm>>) dst(%arg8 : memref<4000xi32, #tpu.memory_space<vmem>>)
    %dma_wait3A_38 = tpu.memref_slice %arg5[%add3A_28] : memref<320000xi32, #tpu.memory_space<hbm>> -> memref<4000xi32, #tpu.memory_space<hbm>>
    %dma_wait3A_39 = tpu.memref_slice %arg5[%add3A_28] : memref<320000xi32, #tpu.memory_space<hbm>> -> memref<4000xi32, #tpu.memory_space<hbm>>
    tpu.wait_dma2 semaphore(%arg14 : memref<!tpu.dma_semaphore, #tpu.memory_space<semaphore_mem>>) src(%dma_wait3A_39 : memref<4000xi32, #tpu.memory_space<hbm>>) dst(%arg9 : memref<4000xi32, #tpu.memory_space<vmem>>)
    %add3A_40 = arith.constant 12000 : i32
    %add3A_41 = arith.addi %mul3A_7, %add3A_40 : i32
    %dma_start3A_42 = tpu.memref_slice %arg4[%add3A_41] : memref<320000xi32, #tpu.memory_space<hbm>> -> memref<4000xi32, #tpu.memory_space<hbm>>
    %dma_start3A_43 = tpu.memref_slice %arg4[%add3A_41] : memref<320000xi32, #tpu.memory_space<hbm>> -> memref<4000xi32, #tpu.memory_space<hbm>>
    tpu.enqueue_dma source(%dma_start3A_43 : memref<4000xi32, #tpu.memory_space<hbm>>) target(%arg10 : memref<4000xi32, #tpu.memory_space<vmem>>) target_semaphore(%arg15 : memref<!tpu.dma_semaphore, #tpu.memory_space<semaphore_mem>>)
    %dma_start3A_44 = tpu.memref_slice %arg5[%add3A_41] : memref<320000xi32, #tpu.memory_space<hbm>> -> memref<4000xi32, #tpu.memory_space<hbm>>
    %dma_start3A_45 = tpu.memref_slice %arg5[%add3A_41] : memref<320000xi32, #tpu.memory_space<hbm>> -> memref<4000xi32, #tpu.memory_space<hbm>>
    tpu.enqueue_dma source(%dma_start3A_45 : memref<4000xi32, #tpu.memory_space<hbm>>) target(%arg11 : memref<4000xi32, #tpu.memory_space<vmem>>) target_semaphore(%arg15 : memref<!tpu.dma_semaphore, #tpu.memory_space<semaphore_mem>>)
    %parallel_loop3A_46 = arith.constant 0 : i32
    %parallel_loop3A_47 = arith.constant 250 : i32
    %parallel_loop3A_48 = arith.constant 1 : i32
    scf.for %parallel_loop3A_69 = %parallel_loop3A_46 to %parallel_loop3A_47 step %parallel_loop3A_48  : i32 {
      %parallel_loop3A_70 = arith.constant 16 : i32
      %parallel_loop3A_71 = arith.muli %parallel_loop3A_69, %parallel_loop3A_70 : i32
      %parallel_loop3A_72 = arith.index_cast %parallel_loop3A_71 : i32 to index
      %parallel_loop3A_73 = tpu.vector_load %arg8[%parallel_loop3A_72] {strides = array<i32>} : memref<4000xi32, #tpu.memory_space<vmem>>, vector<16xi32>,
      %parallel_loop3A_74 = arith.constant 4 : i32
      %parallel_loop3A_75 = vector.broadcast %parallel_loop3A_74 : i32 to vector<16xi32>
      %parallel_loop3A_76 = arith.muli %parallel_loop3A_73, %parallel_loop3A_75 : vector<16xi32>
      %parallel_loop3A_77 = arith.constant 16 : i32
      %parallel_loop3A_78 = arith.muli %parallel_loop3A_69, %parallel_loop3A_77 : i32
      %parallel_loop3A_79 = arith.index_cast %parallel_loop3A_78 : i32 to index
      %parallel_loop3A_80 = tpu.vector_load %arg9[%parallel_loop3A_79] {strides = array<i32>} : memref<4000xi32, #tpu.memory_space<vmem>>, vector<16xi32>,
      %parallel_loop3A_81 = arith.constant 4 : i32
      %parallel_loop3A_82 = vector.broadcast %parallel_loop3A_81 : i32 to vector<16xi32>
      %parallel_loop3A_83 = arith.muli %parallel_loop3A_80, %parallel_loop3A_82 : vector<16xi32>
      %parallel_loop3A_84 = arith.constant 0 : i32
      %parallel_loop3A_85 = vector.broadcast %parallel_loop3A_84 : i32 to vector<16xi32>
      %parallel_loop3A_86 = arith.addi %parallel_loop3A_83, %parallel_loop3A_85 : vector<16xi32>
      %parallel_loop3A_87 = tpu.vector_load_idx %arg12[%parallel_loop3A_86] : memref<40000xf32, #tpu.memory_space<vmem>>[vector<16xi32>], vector<16xf32>,
      %parallel_loop3A_88 = arith.constant 0 : i32
      %parallel_loop3A_89 = vector.broadcast %parallel_loop3A_88 : i32 to vector<16xi32>
      %parallel_loop3A_90 = arith.addi %parallel_loop3A_76, %parallel_loop3A_89 : vector<16xi32>
      tpu.vector_store_idx %arg13[%parallel_loop3A_90], %parallel_loop3A_87 {add = true} : memref<40000xf32, #tpu.memory_space<vmem>>[vector<16xi32>], vector<16xf32>,
      %parallel_loop3A_91 = arith.constant 1 : i32
      %parallel_loop3A_92 = vector.broadcast %parallel_loop3A_91 : i32 to vector<16xi32>
      %parallel_loop3A_93 = arith.addi %parallel_loop3A_83, %parallel_loop3A_92 : vector<16xi32>
      %parallel_loop3A_94 = tpu.vector_load_idx %arg12[%parallel_loop3A_93] : memref<40000xf32, #tpu.memory_space<vmem>>[vector<16xi32>], vector<16xf32>,
      %parallel_loop3A_95 = arith.constant 1 : i32
      %parallel_loop3A_96 = vector.broadcast %parallel_loop3A_95 : i32 to vector<16xi32>
      %parallel_loop3A_97 = arith.addi %parallel_loop3A_76, %parallel_loop3A_96 : vector<16xi32>
      tpu.vector_store_idx %arg13[%parallel_loop3A_97], %parallel_loop3A_94 {add = true} : memref<40000xf32, #tpu.memory_space<vmem>>[vector<16xi32>], vector<16xf32>,
      %parallel_loop3A_98 = arith.constant 2 : i32
      %parallel_loop3A_99 = vector.broadcast %parallel_loop3A_98 : i32 to vector<16xi32>
      %parallel_loop3A_100 = arith.addi %parallel_loop3A_83, %parallel_loop3A_99 : vector<16xi32>
      %parallel_loop3A_101 = tpu.vector_load_idx %arg12[%parallel_loop3A_100] : memref<40000xf32, #tpu.memory_space<vmem>>[vector<16xi32>], vector<16xf32>,
      %parallel_loop3A_102 = arith.constant 2 : i32
      %parallel_loop3A_103 = vector.broadcast %parallel_loop3A_102 : i32 to vector<16xi32>
      %parallel_loop3A_104 = arith.addi %parallel_loop3A_76, %parallel_loop3A_103 : vector<16xi32>
      tpu.vector_store_idx %arg13[%parallel_loop3A_104], %parallel_loop3A_101 {add = true} : memref<40000xf32, #tpu.memory_space<vmem>>[vector<16xi32>], vector<16xf32>,
      %parallel_loop3A_105 = arith.constant 3 : i32
      %parallel_loop3A_106 = vector.broadcast %parallel_loop3A_105 : i32 to vector<16xi32>
      %parallel_loop3A_107 = arith.addi %parallel_loop3A_83, %parallel_loop3A_106 : vector<16xi32>
      %parallel_loop3A_108 = tpu.vector_load_idx %arg12[%parallel_loop3A_107] : memref<40000xf32, #tpu.memory_space<vmem>>[vector<16xi32>], vector<16xf32>,
      %parallel_loop3A_109 = arith.constant 3 : i32
      %parallel_loop3A_110 = vector.broadcast %parallel_loop3A_109 : i32 to vector<16xi32>
      %parallel_loop3A_111 = arith.addi %parallel_loop3A_76, %parallel_loop3A_110 : vector<16xi32>
      tpu.vector_store_idx %arg13[%parallel_loop3A_111], %parallel_loop3A_108 {add = true} : memref<40000xf32, #tpu.memory_space<vmem>>[vector<16xi32>], vector<16xf32>,
    } {sc.loop_unroll_factor = 5 : i64, sc.parallel_access}
    %dma_wait3A_49 = tpu.memref_slice %arg4[%add3A_41] : memref<320000xi32, #tpu.memory_space<hbm>> -> memref<4000xi32, #tpu.memory_space<hbm>>
    %dma_wait3A_50 = tpu.memref_slice %arg4[%add3A_41] : memref<320000xi32, #tpu.memory_space<hbm>> -> memref<4000xi32, #tpu.memory_space<hbm>>
    tpu.wait_dma2 semaphore(%arg15 : memref<!tpu.dma_semaphore, #tpu.memory_space<semaphore_mem>>) src(%dma_wait3A_50 : memref<4000xi32, #tpu.memory_space<hbm>>) dst(%arg10 : memref<4000xi32, #tpu.memory_space<vmem>>)
    %dma_wait3A_51 = tpu.memref_slice %arg5[%add3A_41] : memref<320000xi32, #tpu.memory_space<hbm>> -> memref<4000xi32, #tpu.memory_space<hbm>>
    %dma_wait3A_52 = tpu.memref_slice %arg5[%add3A_41] : memref<320000xi32, #tpu.memory_space<hbm>> -> memref<4000xi32, #tpu.memory_space<hbm>>
    tpu.wait_dma2 semaphore(%arg15 : memref<!tpu.dma_semaphore, #tpu.memory_space<semaphore_mem>>) src(%dma_wait3A_52 : memref<4000xi32, #tpu.memory_space<hbm>>) dst(%arg11 : memref<4000xi32, #tpu.memory_space<vmem>>)
    %add3A_53 = arith.constant 16000 : i32
    %add3A_54 = arith.addi %mul3A_7, %add3A_53 : i32
    %dma_start3A_55 = tpu.memref_slice %arg4[%add3A_54] : memref<320000xi32, #tpu.memory_space<hbm>> -> memref<4000xi32, #tpu.memory_space<hbm>>
    %dma_start3A_56 = tpu.memref_slice %arg4[%add3A_54] : memref<320000xi32, #tpu.memory_space<hbm>> -> memref<4000xi32, #tpu.memory_space<hbm>>
    tpu.enqueue_dma source(%dma_start3A_56 : memref<4000xi32, #tpu.memory_space<hbm>>) target(%arg8 : memref<4000xi32, #tpu.memory_space<vmem>>) target_semaphore(%arg14 : memref<!tpu.dma_semaphore, #tpu.memory_space<semaphore_mem>>)
    %dma_start3A_57 = tpu.memref_slice %arg5[%add3A_54] : memref<320000xi32, #tpu.memory_space<hbm>> -> memref<4000xi32, #tpu.memory_space<hbm>>
    %dma_start3A_58 = tpu.memref_slice %arg5[%add3A_54] : memref<320000xi32, #tpu.memory_space<hbm>> -> memref<4000xi32, #tpu.memory_space<hbm>>
    tpu.enqueue_dma source(%dma_start3A_58 : memref<4000xi32, #tpu.memory_space<hbm>>) target(%arg9 : memref<4000xi32, #tpu.memory_space<vmem>>) target_semaphore(%arg14 : memref<!tpu.dma_semaphore, #tpu.memory_space<semaphore_mem>>)
    %parallel_loop3A_59 = arith.constant 0 : i32
    %parallel_loop3A_60 = arith.constant 250 : i32
    %parallel_loop3A_61 = arith.constant 1 : i32
    scf.for %parallel_loop3A_69 = %parallel_loop3A_59 to %parallel_loop3A_60 step %parallel_loop3A_61  : i32 {
      %parallel_loop3A_70 = arith.constant 16 : i32
      %parallel_loop3A_71 = arith.muli %parallel_loop3A_69, %parallel_loop3A_70 : i32
      %parallel_loop3A_72 = arith.index_cast %parallel_loop3A_71 : i32 to index
      %parallel_loop3A_73 = tpu.vector_load %arg10[%parallel_loop3A_72] {strides = array<i32>} : memref<4000xi32, #tpu.memory_space<vmem>>, vector<16xi32>,
      %parallel_loop3A_74 = arith.constant 4 : i32
      %parallel_loop3A_75 = vector.broadcast %parallel_loop3A_74 : i32 to vector<16xi32>
      %parallel_loop3A_76 = arith.muli %parallel_loop3A_73, %parallel_loop3A_75 : vector<16xi32>
      %parallel_loop3A_77 = arith.constant 16 : i32
      %parallel_loop3A_78 = arith.muli %parallel_loop3A_69, %parallel_loop3A_77 : i32
      %parallel_loop3A_79 = arith.index_cast %parallel_loop3A_78 : i32 to index
      %parallel_loop3A_80 = tpu.vector_load %arg11[%parallel_loop3A_79] {strides = array<i32>} : memref<4000xi32, #tpu.memory_space<vmem>>, vector<16xi32>,
      %parallel_loop3A_81 = arith.constant 4 : i32
      %parallel_loop3A_82 = vector.broadcast %parallel_loop3A_81 : i32 to vector<16xi32>
      %parallel_loop3A_83 = arith.muli %parallel_loop3A_80, %parallel_loop3A_82 : vector<16xi32>
      %parallel_loop3A_84 = arith.constant 0 : i32
      %parallel_loop3A_85 = vector.broadcast %parallel_loop3A_84 : i32 to vector<16xi32>
      %parallel_loop3A_86 = arith.addi %parallel_loop3A_83, %parallel_loop3A_85 : vector<16xi32>
      %parallel_loop3A_87 = tpu.vector_load_idx %arg12[%parallel_loop3A_86] : memref<40000xf32, #tpu.memory_space<vmem>>[vector<16xi32>], vector<16xf32>,
      %parallel_loop3A_88 = arith.constant 0 : i32
      %parallel_loop3A_89 = vector.broadcast %parallel_loop3A_88 : i32 to vector<16xi32>
      %parallel_loop3A_90 = arith.addi %parallel_loop3A_76, %parallel_loop3A_89 : vector<16xi32>
      tpu.vector_store_idx %arg13[%parallel_loop3A_90], %parallel_loop3A_87 {add = true} : memref<40000xf32, #tpu.memory_space<vmem>>[vector<16xi32>], vector<16xf32>,
      %parallel_loop3A_91 = arith.constant 1 : i32
      %parallel_loop3A_92 = vector.broadcast %parallel_loop3A_91 : i32 to vector<16xi32>
      %parallel_loop3A_93 = arith.addi %parallel_loop3A_83, %parallel_loop3A_92 : vector<16xi32>
      %parallel_loop3A_94 = tpu.vector_load_idx %arg12[%parallel_loop3A_93] : memref<40000xf32, #tpu.memory_space<vmem>>[vector<16xi32>], vector<16xf32>,
      %parallel_loop3A_95 = arith.constant 1 : i32
      %parallel_loop3A_96 = vector.broadcast %parallel_loop3A_95 : i32 to vector<16xi32>
      %parallel_loop3A_97 = arith.addi %parallel_loop3A_76, %parallel_loop3A_96 : vector<16xi32>
      tpu.vector_store_idx %arg13[%parallel_loop3A_97], %parallel_loop3A_94 {add = true} : memref<40000xf32, #tpu.memory_space<vmem>>[vector<16xi32>], vector<16xf32>,
      %parallel_loop3A_98 = arith.constant 2 : i32
      %parallel_loop3A_99 = vector.broadcast %parallel_loop3A_98 : i32 to vector<16xi32>
      %parallel_loop3A_100 = arith.addi %parallel_loop3A_83, %parallel_loop3A_99 : vector<16xi32>
      %parallel_loop3A_101 = tpu.vector_load_idx %arg12[%parallel_loop3A_100] : memref<40000xf32, #tpu.memory_space<vmem>>[vector<16xi32>], vector<16xf32>,
      %parallel_loop3A_102 = arith.constant 2 : i32
      %parallel_loop3A_103 = vector.broadcast %parallel_loop3A_102 : i32 to vector<16xi32>
      %parallel_loop3A_104 = arith.addi %parallel_loop3A_76, %parallel_loop3A_103 : vector<16xi32>
      tpu.vector_store_idx %arg13[%parallel_loop3A_104], %parallel_loop3A_101 {add = true} : memref<40000xf32, #tpu.memory_space<vmem>>[vector<16xi32>], vector<16xf32>,
      %parallel_loop3A_105 = arith.constant 3 : i32
      %parallel_loop3A_106 = vector.broadcast %parallel_loop3A_105 : i32 to vector<16xi32>
      %parallel_loop3A_107 = arith.addi %parallel_loop3A_83, %parallel_loop3A_106 : vector<16xi32>
      %parallel_loop3A_108 = tpu.vector_load_idx %arg12[%parallel_loop3A_107] : memref<40000xf32, #tpu.memory_space<vmem>>[vector<16xi32>], vector<16xf32>,
      %parallel_loop3A_109 = arith.constant 3 : i32
      %parallel_loop3A_110 = vector.broadcast %parallel_loop3A_109 : i32 to vector<16xi32>
      %parallel_loop3A_111 = arith.addi %parallel_loop3A_76, %parallel_loop3A_110 : vector<16xi32>
      tpu.vector_store_idx %arg13[%parallel_loop3A_111], %parallel_loop3A_108 {add = true} : memref<40000xf32, #tpu.memory_space<vmem>>[vector<16xi32>], vector<16xf32>,
    } {sc.loop_unroll_factor = 5 : i64, sc.parallel_access}
    %dma_wait3A_62 = tpu.memref_slice %arg4[%add3A_54] : memref<320000xi32, #tpu.memory_space<hbm>> -> memref<4000xi32, #tpu.memory_space<hbm>>
    %dma_wait3A_63 = tpu.memref_slice %arg4[%add3A_54] : memref<320000xi32, #tpu.memory_space<hbm>> -> memref<4000xi32, #tpu.memory_space<hbm>>
    tpu.wait_dma2 semaphore(%arg14 : memref<!tpu.dma_semaphore, #tpu.memory_space<semaphore_mem>>) src(%dma_wait3A_63 : memref<4000xi32, #tpu.memory_space<hbm>>) dst(%arg8 : memref<4000xi32, #tpu.memory_space<vmem>>)
    %dma_wait3A_64 = tpu.memref_slice %arg5[%add3A_54] : memref<320000xi32, #tpu.memory_space<hbm>> -> memref<4000xi32, #tpu.memory_space<hbm>>
    %dma_wait3A_65 = tpu.memref_slice %arg5[%add3A_54] : memref<320000xi32, #tpu.memory_space<hbm>> -> memref<4000xi32, #tpu.memory_space<hbm>>
    tpu.wait_dma2 semaphore(%arg14 : memref<!tpu.dma_semaphore, #tpu.memory_space<semaphore_mem>>) src(%dma_wait3A_65 : memref<4000xi32, #tpu.memory_space<hbm>>) dst(%arg9 : memref<4000xi32, #tpu.memory_space<vmem>>)
    %parallel_loop3A_66 = arith.constant 0 : i32
    %parallel_loop3A_67 = arith.constant 250 : i32
    %parallel_loop3A_68 = arith.constant 1 : i32
    scf.for %parallel_loop3A_69 = %parallel_loop3A_66 to %parallel_loop3A_67 step %parallel_loop3A_68  : i32 {
      %parallel_loop3A_70 = arith.constant 16 : i32
      %parallel_loop3A_71 = arith.muli %parallel_loop3A_69, %parallel_loop3A_70 : i32
      %parallel_loop3A_72 = arith.index_cast %parallel_loop3A_71 : i32 to index
      %parallel_loop3A_73 = tpu.vector_load %arg8[%parallel_loop3A_72] {strides = array<i32>} : memref<4000xi32, #tpu.memory_space<vmem>>, vector<16xi32>,
      %parallel_loop3A_74 = arith.constant 4 : i32
      %parallel_loop3A_75 = vector.broadcast %parallel_loop3A_74 : i32 to vector<16xi32>
      %parallel_loop3A_76 = arith.muli %parallel_loop3A_73, %parallel_loop3A_75 : vector<16xi32>
      %parallel_loop3A_77 = arith.constant 16 : i32
      %parallel_loop3A_78 = arith.muli %parallel_loop3A_69, %parallel_loop3A_77 : i32
      %parallel_loop3A_79 = arith.index_cast %parallel_loop3A_78 : i32 to index
      %parallel_loop3A_80 = tpu.vector_load %arg9[%parallel_loop3A_79] {strides = array<i32>} : memref<4000xi32, #tpu.memory_space<vmem>>, vector<16xi32>,
      %parallel_loop3A_81 = arith.constant 4 : i32
      %parallel_loop3A_82 = vector.broadcast %parallel_loop3A_81 : i32 to vector<16xi32>
      %parallel_loop3A_83 = arith.muli %parallel_loop3A_80, %parallel_loop3A_82 : vector<16xi32>
      %parallel_loop3A_84 = arith.constant 0 : i32
      %parallel_loop3A_85 = vector.broadcast %parallel_loop3A_84 : i32 to vector<16xi32>
      %parallel_loop3A_86 = arith.addi %parallel_loop3A_83, %parallel_loop3A_85 : vector<16xi32>
      %parallel_loop3A_87 = tpu.vector_load_idx %arg12[%parallel_loop3A_86] : memref<40000xf32, #tpu.memory_space<vmem>>[vector<16xi32>], vector<16xf32>,
      %parallel_loop3A_88 = arith.constant 0 : i32
      %parallel_loop3A_89 = vector.broadcast %parallel_loop3A_88 : i32 to vector<16xi32>
      %parallel_loop3A_90 = arith.addi %parallel_loop3A_76, %parallel_loop3A_89 : vector<16xi32>
      tpu.vector_store_idx %arg13[%parallel_loop3A_90], %parallel_loop3A_87 {add = true} : memref<40000xf32, #tpu.memory_space<vmem>>[vector<16xi32>], vector<16xf32>,
      %parallel_loop3A_91 = arith.constant 1 : i32
      %parallel_loop3A_92 = vector.broadcast %parallel_loop3A_91 : i32 to vector<16xi32>
      %parallel_loop3A_93 = arith.addi %parallel_loop3A_83, %parallel_loop3A_92 : vector<16xi32>
      %parallel_loop3A_94 = tpu.vector_load_idx %arg12[%parallel_loop3A_93] : memref<40000xf32, #tpu.memory_space<vmem>>[vector<16xi32>], vector<16xf32>,
      %parallel_loop3A_95 = arith.constant 1 : i32
      %parallel_loop3A_96 = vector.broadcast %parallel_loop3A_95 : i32 to vector<16xi32>
      %parallel_loop3A_97 = arith.addi %parallel_loop3A_76, %parallel_loop3A_96 : vector<16xi32>
      tpu.vector_store_idx %arg13[%parallel_loop3A_97], %parallel_loop3A_94 {add = true} : memref<40000xf32, #tpu.memory_space<vmem>>[vector<16xi32>], vector<16xf32>,
      %parallel_loop3A_98 = arith.constant 2 : i32
      %parallel_loop3A_99 = vector.broadcast %parallel_loop3A_98 : i32 to vector<16xi32>
      %parallel_loop3A_100 = arith.addi %parallel_loop3A_83, %parallel_loop3A_99 : vector<16xi32>
      %parallel_loop3A_101 = tpu.vector_load_idx %arg12[%parallel_loop3A_100] : memref<40000xf32, #tpu.memory_space<vmem>>[vector<16xi32>], vector<16xf32>,
      %parallel_loop3A_102 = arith.constant 2 : i32
      %parallel_loop3A_103 = vector.broadcast %parallel_loop3A_102 : i32 to vector<16xi32>
      %parallel_loop3A_104 = arith.addi %parallel_loop3A_76, %parallel_loop3A_103 : vector<16xi32>
      tpu.vector_store_idx %arg13[%parallel_loop3A_104], %parallel_loop3A_101 {add = true} : memref<40000xf32, #tpu.memory_space<vmem>>[vector<16xi32>], vector<16xf32>,
      %parallel_loop3A_105 = arith.constant 3 : i32
      %parallel_loop3A_106 = vector.broadcast %parallel_loop3A_105 : i32 to vector<16xi32>
      %parallel_loop3A_107 = arith.addi %parallel_loop3A_83, %parallel_loop3A_106 : vector<16xi32>
      %parallel_loop3A_108 = tpu.vector_load_idx %arg12[%parallel_loop3A_107] : memref<40000xf32, #tpu.memory_space<vmem>>[vector<16xi32>], vector<16xf32>,
      %parallel_loop3A_109 = arith.constant 3 : i32
      %parallel_loop3A_110 = vector.broadcast %parallel_loop3A_109 : i32 to vector<16xi32>
      %parallel_loop3A_111 = arith.addi %parallel_loop3A_76, %parallel_loop3A_110 : vector<16xi32>
      tpu.vector_store_idx %arg13[%parallel_loop3A_111], %parallel_loop3A_108 {add = true} : memref<40000xf32, #tpu.memory_space<vmem>>[vector<16xi32>], vector<16xf32>,
    } {sc.loop_unroll_factor = 5 : i64, sc.parallel_access}
    "tpu.region"() ({
      %run_scoped3A = tpu.sem_alloc : memref<!tpu.dma_semaphore, #tpu.memory_space<semaphore_mem>>
      %dma_start3A_69 = arith.constant 0 : i32
      %dma_start3A_70 = tpu.memref_slice %arg7[%arg0, %arg1, %dma_start3A_69] : memref<2x16x40000xf32, #tpu.memory_space<hbm>> -> memref<1x1x40000xf32, #tpu.memory_space<hbm>>
      %dma_start3A_71 = tpu.memref_squeeze %dma_start3A_70 : memref<1x1x40000xf32, #tpu.memory_space<hbm>> -> memref<40000xf32, #tpu.memory_space<hbm>>
      %dma_start3A_72 = arith.constant 0 : i32
      %dma_start3A_73 = tpu.memref_slice %arg7[%arg0, %arg1, %dma_start3A_72] : memref<2x16x40000xf32, #tpu.memory_space<hbm>> -> memref<1x1x40000xf32, #tpu.memory_space<hbm>>
      %dma_start3A_74 = tpu.memref_squeeze %dma_start3A_73 : memref<1x1x40000xf32, #tpu.memory_space<hbm>> -> memref<40000xf32, #tpu.memory_space<hbm>>
      tpu.enqueue_dma source(%arg13 : memref<40000xf32, #tpu.memory_space<vmem>>) target(%dma_start3A_74 : memref<40000xf32, #tpu.memory_space<hbm>>) target_semaphore(%run_scoped3A : memref<!tpu.dma_semaphore, #tpu.memory_space<semaphore_mem>>)
      %dma_wait3A_75 = arith.constant 0 : i32
      %dma_wait3A_76 = tpu.memref_slice %arg7[%arg0, %arg1, %dma_wait3A_75] : memref<2x16x40000xf32, #tpu.memory_space<hbm>> -> memref<1x1x40000xf32, #tpu.memory_space<hbm>>
      %dma_wait3A_77 = tpu.memref_squeeze %dma_wait3A_76 : memref<1x1x40000xf32, #tpu.memory_space<hbm>> -> memref<40000xf32, #tpu.memory_space<hbm>>
      %dma_wait3A_78 = arith.constant 0 : i32
      %dma_wait3A_79 = tpu.memref_slice %arg7[%arg0, %arg1, %dma_wait3A_78] : memref<2x16x40000xf32, #tpu.memory_space<hbm>> -> memref<1x1x40000xf32, #tpu.memory_space<hbm>>
      %dma_wait3A_80 = tpu.memref_squeeze %dma_wait3A_79 : memref<1x1x40000xf32, #tpu.memory_space<hbm>> -> memref<40000xf32, #tpu.memory_space<hbm>>
      tpu.wait_dma2 semaphore(%run_scoped3A : memref<!tpu.dma_semaphore, #tpu.memory_space<semaphore_mem>>) src(%arg13 : memref<40000xf32, #tpu.memory_space<vmem>>) dst(%dma_wait3A_80 : memref<40000xf32, #tpu.memory_space<hbm>>)
      tpu.yield
    }) : () -> ()
    return
  }
}

module attributes {stable_mosaic.version = 14 : i64} {
  func.func @_pre_body(%arg0: i32, %arg1: memref<2000x128xf32, #tpu.memory_space<vmem>>, %arg2: memref<2000x32xf32, #tpu.memory_space<vmem>>, %arg3: memref<128x32xf32, #tpu.memory_space<vmem>>, %arg4: memref<1x32xf32, #tpu.memory_space<vmem>>, %arg5: memref<32x16xf32, #tpu.memory_space<vmem>>, %arg6: memref<1x16xf32, #tpu.memory_space<vmem>>, %arg7: memref<16x8xf32, #tpu.memory_space<vmem>>, %arg8: memref<1x8xf32, #tpu.memory_space<vmem>>, %arg9: memref<2000x4xf32, #tpu.memory_space<vmem>>, %arg10: memref<2000x4xf32, #tpu.memory_space<vmem>>, %arg11: memref<2000x1xf32, #tpu.memory_space<vmem>>) attributes {dimension_semantics = [#tpu.dimension_semantics<arbitrary>], iteration_bounds = array<i64: 5>, scalar_prefetch = 0 : i64, scratch_operands = 0 : i64, tpu.core_type = #tpu.core_type<tc>, window_params = [{transform_indices = @transform_0, window_bounds = array<i64: 2000, 128>}, {transform_indices = @transform_1, window_bounds = array<i64: 2000, 32>}, {pipeline_mode = #tpu.pipeline_mode<synchronous>, transform_indices = @transform_2, window_bounds = array<i64: 128, 32>}, {pipeline_mode = #tpu.pipeline_mode<synchronous>, transform_indices = @transform_3, window_bounds = array<i64: 1, 32>}, {pipeline_mode = #tpu.pipeline_mode<synchronous>, transform_indices = @transform_4, window_bounds = array<i64: 32, 16>}, {pipeline_mode = #tpu.pipeline_mode<synchronous>, transform_indices = @transform_5, window_bounds = array<i64: 1, 16>}, {pipeline_mode = #tpu.pipeline_mode<synchronous>, transform_indices = @transform_6, window_bounds = array<i64: 16, 8>}, {pipeline_mode = #tpu.pipeline_mode<synchronous>, transform_indices = @transform_7, window_bounds = array<i64: 1, 8>}, {transform_indices = @transform_8, window_bounds = array<i64: 2000, 4>}, {transform_indices = @transform_9, window_bounds = array<i64: 2000, 4>}, {transform_indices = @transform_10, window_bounds = array<i64: 2000, 1>}]} {
    %get3A = arith.constant 0 : index
    %get3A_0 = arith.constant 0 : index
    %get3A_1 = vector.load %arg2[%get3A, %get3A_0] : memref<2000x32xf32, #tpu.memory_space<vmem>>, vector<2000x32xf32>
    %reduce_sum3A = arith.constant dense<0.000000e+00> : vector<2000xf32>
    %reduce_sum3A_2 = vector.multi_reduction <add>, %get3A_1, %reduce_sum3A [1] : vector<2000x32xf32> to vector<2000xf32>
    %broadcast_in_dim3A = vector.shape_cast %reduce_sum3A_2 : vector<2000xf32> to vector<2000x1xf32>
    %add3A = arith.constant 1.000000e+00 : f32
    %add3A_3 = vector.broadcast %add3A : f32 to vector<2000x1xf32>
    %add3A_4 = arith.addf %broadcast_in_dim3A, %add3A_3 : vector<2000x1xf32>
    %rsqrt3A = math.rsqrt %add3A_4 : vector<2000x1xf32>
    %get3A_5 = arith.constant 0 : index
    %get3A_6 = arith.constant 0 : index
    %get3A_7 = vector.load %arg1[%get3A_5, %get3A_6] : memref<2000x128xf32, #tpu.memory_space<vmem>>, vector<2000x128xf32>
    %get3A_8 = arith.constant 0 : index
    %get3A_9 = arith.constant 0 : index
    %get3A_10 = vector.load %arg3[%get3A_8, %get3A_9] : memref<128x32xf32, #tpu.memory_space<vmem>>, vector<128x32xf32>
    %get3A_11 = arith.constant 0 : index
    %get3A_12 = arith.constant 0 : index
    %get3A_13 = vector.load %arg4[%get3A_11, %get3A_12] : memref<1x32xf32, #tpu.memory_space<vmem>>, vector<1x32xf32>
    %dot_general3A = arith.constant dense<0.000000e+00> : vector<2000x32xf32>
    %dot_general3A_14 = tpu.matmul %get3A_7, %get3A_10, %dot_general3A {dimension_numbers = #tpu.dot_dimension_numbers<[1], [0], [0], [1], [0, 0, 1, 1], [], []>, precision = #tpu.contract_precision<fp32>, transpose_lhs_hint = false} : vector<2000x128xf32>, vector<128x32xf32>, vector<2000x32xf32> -> vector<2000x32xf32>
    %add3A_15 = vector.broadcast %get3A_13 : vector<1x32xf32> to vector<2000x32xf32>
    %add3A_16 = arith.addf %dot_general3A_14, %add3A_15 : vector<2000x32xf32>
    %max3A = arith.constant 0.000000e+00 : f32
    %max3A_17 = vector.broadcast %max3A : f32 to vector<2000x32xf32>
    %max3A_18 = arith.maximumf %add3A_16, %max3A_17 : vector<2000x32xf32>
    %get3A_19 = arith.constant 0 : index
    %get3A_20 = arith.constant 0 : index
    %get3A_21 = vector.load %arg5[%get3A_19, %get3A_20] : memref<32x16xf32, #tpu.memory_space<vmem>>, vector<32x16xf32>
    %get3A_22 = arith.constant 0 : index
    %get3A_23 = arith.constant 0 : index
    %get3A_24 = vector.load %arg6[%get3A_22, %get3A_23] : memref<1x16xf32, #tpu.memory_space<vmem>>, vector<1x16xf32>
    %dot_general3A_25 = arith.constant dense<0.000000e+00> : vector<2000x16xf32>
    %dot_general3A_26 = tpu.matmul %max3A_18, %get3A_21, %dot_general3A_25 {dimension_numbers = #tpu.dot_dimension_numbers<[1], [0], [0], [1], [0, 0, 1, 1], [], []>, precision = #tpu.contract_precision<fp32>, transpose_lhs_hint = false} : vector<2000x32xf32>, vector<32x16xf32>, vector<2000x16xf32> -> vector<2000x16xf32>
    %add3A_27 = vector.broadcast %get3A_24 : vector<1x16xf32> to vector<2000x16xf32>
    %add3A_28 = arith.addf %dot_general3A_26, %add3A_27 : vector<2000x16xf32>
    %max3A_29 = arith.constant 0.000000e+00 : f32
    %max3A_30 = vector.broadcast %max3A_29 : f32 to vector<2000x16xf32>
    %max3A_31 = arith.maximumf %add3A_28, %max3A_30 : vector<2000x16xf32>
    %get3A_32 = arith.constant 0 : index
    %get3A_33 = arith.constant 0 : index
    %get3A_34 = vector.load %arg7[%get3A_32, %get3A_33] : memref<16x8xf32, #tpu.memory_space<vmem>>, vector<16x8xf32>
    %get3A_35 = arith.constant 0 : index
    %get3A_36 = arith.constant 0 : index
    %get3A_37 = vector.load %arg8[%get3A_35, %get3A_36] : memref<1x8xf32, #tpu.memory_space<vmem>>, vector<1x8xf32>
    %dot_general3A_38 = arith.constant dense<0.000000e+00> : vector<2000x8xf32>
    %dot_general3A_39 = tpu.matmul %max3A_31, %get3A_34, %dot_general3A_38 {dimension_numbers = #tpu.dot_dimension_numbers<[1], [0], [0], [1], [0, 0, 1, 1], [], []>, precision = #tpu.contract_precision<fp32>, transpose_lhs_hint = false} : vector<2000x16xf32>, vector<16x8xf32>, vector<2000x8xf32> -> vector<2000x8xf32>
    %add3A_40 = vector.broadcast %get3A_37 : vector<1x8xf32> to vector<2000x8xf32>
    %add3A_41 = arith.addf %dot_general3A_39, %add3A_40 : vector<2000x8xf32>
    %mul3A = vector.broadcast %rsqrt3A : vector<2000x1xf32> to vector<2000x8xf32>
    %mul3A_42 = arith.mulf %mul3A, %add3A_41 : vector<2000x8xf32>
    %slice3A = vector.extract_strided_slice %mul3A_42 {offsets = [0, 0], sizes = [2000, 4], strides = [1, 1]} : vector<2000x8xf32> to vector<2000x4xf32>
    %swap3A = arith.constant 0 : index
    %swap3A_43 = arith.constant 0 : index
    %swap3A_44 = vector.load %arg9[%swap3A, %swap3A_43] : memref<2000x4xf32, #tpu.memory_space<vmem>>, vector<2000x4xf32>
    tpu.vector_store %arg9[%swap3A, %swap3A_43], %slice3A {strides = array<i32>} : memref<2000x4xf32, #tpu.memory_space<vmem>>, vector<2000x4xf32>,
    %slice3A_45 = vector.extract_strided_slice %mul3A_42 {offsets = [0, 4], sizes = [2000, 4], strides = [1, 1]} : vector<2000x8xf32> to vector<2000x4xf32>
    %swap3A_46 = arith.constant 0 : index
    %swap3A_47 = arith.constant 0 : index
    %swap3A_48 = vector.load %arg10[%swap3A_46, %swap3A_47] : memref<2000x4xf32, #tpu.memory_space<vmem>>, vector<2000x4xf32>
    tpu.vector_store %arg10[%swap3A_46, %swap3A_47], %slice3A_45 {strides = array<i32>} : memref<2000x4xf32, #tpu.memory_space<vmem>>, vector<2000x4xf32>,
    %swap3A_49 = arith.constant 0 : index
    %swap3A_50 = arith.constant 0 : index
    %swap3A_51 = vector.load %arg11[%swap3A_49, %swap3A_50] : memref<2000x1xf32, #tpu.memory_space<vmem>>, vector<2000x1xf32>
    tpu.vector_store %arg11[%swap3A_49, %swap3A_50], %rsqrt3A {strides = array<i32>} : memref<2000x1xf32, #tpu.memory_space<vmem>>, vector<2000x1xf32>,
    return
  }
  func.func @transform_0(%arg0: i32) -> (i32, i32) {
    %c0_i32 = arith.constant 0 : i32
    %c0_i32_0 = arith.constant 0 : i32
    return %arg0, %c0_i32 : i32, i32
  }
  func.func @transform_1(%arg0: i32) -> (i32, i32) {
    %c0_i32 = arith.constant 0 : i32
    %c0_i32_0 = arith.constant 0 : i32
    return %arg0, %c0_i32 : i32, i32
  }
  func.func @transform_2(%arg0: i32) -> (i32, i32) {
    %c0_i32 = arith.constant 0 : i32
    %c0_i32_0 = arith.constant 0 : i32
    %c0_i32_1 = arith.constant 0 : i32
    return %c0_i32, %c0_i32_0 : i32, i32
  }
  func.func @transform_3(%arg0: i32) -> (i32, i32) {
    %c0_i32 = arith.constant 0 : i32
    %c0_i32_0 = arith.constant 0 : i32
    %c0_i32_1 = arith.constant 0 : i32
    return %c0_i32, %c0_i32_0 : i32, i32
  }
  func.func @transform_4(%arg0: i32) -> (i32, i32) {
    %c0_i32 = arith.constant 0 : i32
    %c0_i32_0 = arith.constant 0 : i32
    %c0_i32_1 = arith.constant 0 : i32
    return %c0_i32, %c0_i32_0 : i32, i32
  }
  func.func @transform_5(%arg0: i32) -> (i32, i32) {
    %c0_i32 = arith.constant 0 : i32
    %c0_i32_0 = arith.constant 0 : i32
    %c0_i32_1 = arith.constant 0 : i32
    return %c0_i32, %c0_i32_0 : i32, i32
  }
  func.func @transform_6(%arg0: i32) -> (i32, i32) {
    %c0_i32 = arith.constant 0 : i32
    %c0_i32_0 = arith.constant 0 : i32
    %c0_i32_1 = arith.constant 0 : i32
    return %c0_i32, %c0_i32_0 : i32, i32
  }
  func.func @transform_7(%arg0: i32) -> (i32, i32) {
    %c0_i32 = arith.constant 0 : i32
    %c0_i32_0 = arith.constant 0 : i32
    %c0_i32_1 = arith.constant 0 : i32
    return %c0_i32, %c0_i32_0 : i32, i32
  }
  func.func @transform_8(%arg0: i32) -> (i32, i32) {
    %c0_i32 = arith.constant 0 : i32
    %c0_i32_0 = arith.constant 0 : i32
    return %arg0, %c0_i32 : i32, i32
  }
  func.func @transform_9(%arg0: i32) -> (i32, i32) {
    %c0_i32 = arith.constant 0 : i32
    %c0_i32_0 = arith.constant 0 : i32
    return %arg0, %c0_i32 : i32, i32
  }
  func.func @transform_10(%arg0: i32) -> (i32, i32) {
    %c0_i32 = arith.constant 0 : i32
    %c0_i32_0 = arith.constant 0 : i32
    return %arg0, %c0_i32 : i32, i32
  }
}

module attributes {stable_mosaic.version = 14 : i64} {
  func.func @_red_body(%arg0: i32, %arg1: memref<32x40000xf32, #tpu.memory_space<vmem>>, %arg2: memref<1x40000xf32, #tpu.memory_space<vmem>>, %arg3: memref<1x40000xf32, #tpu.memory_space<vmem>>) attributes {dimension_semantics = [#tpu.dimension_semantics<arbitrary>], iteration_bounds = array<i64: 1>, scalar_prefetch = 0 : i64, scratch_operands = 0 : i64, tpu.core_type = #tpu.core_type<tc>, window_params = [{pipeline_mode = #tpu.pipeline_mode<synchronous>, transform_indices = @transform_0, window_bounds = array<i64: 32, 40000>}, {pipeline_mode = #tpu.pipeline_mode<synchronous>, transform_indices = @transform_1, window_bounds = array<i64: 1, 40000>}, {pipeline_mode = #tpu.pipeline_mode<synchronous>, transform_indices = @transform_2, window_bounds = array<i64: 1, 40000>}]} {
    %get3A = arith.constant 0 : index
    %get3A_0 = arith.constant 0 : index
    %get3A_1 = vector.load %arg1[%get3A, %get3A_0] : memref<32x40000xf32, #tpu.memory_space<vmem>>, vector<32x40000xf32>
    %slice3A = vector.extract_strided_slice %get3A_1 {offsets = [0, 0], sizes = [16, 40000], strides = [1, 1]} : vector<32x40000xf32> to vector<16x40000xf32>
    %reduce_sum3A = arith.constant dense<0.000000e+00> : vector<40000xf32>
    %reduce_sum3A_2 = vector.multi_reduction <add>, %slice3A, %reduce_sum3A [0] : vector<16x40000xf32> to vector<40000xf32>
    %broadcast_in_dim3A = vector.shape_cast %reduce_sum3A_2 : vector<40000xf32> to vector<1x40000xf32>
    %swap3A = arith.constant 0 : index
    %swap3A_3 = arith.constant 0 : index
    %swap3A_4 = vector.load %arg2[%swap3A, %swap3A_3] : memref<1x40000xf32, #tpu.memory_space<vmem>>, vector<1x40000xf32>
    tpu.vector_store %arg2[%swap3A, %swap3A_3], %broadcast_in_dim3A {strides = array<i32>} : memref<1x40000xf32, #tpu.memory_space<vmem>>, vector<1x40000xf32>,
    %slice3A_5 = vector.extract_strided_slice %get3A_1 {offsets = [16, 0], sizes = [16, 40000], strides = [1, 1]} : vector<32x40000xf32> to vector<16x40000xf32>
    %reduce_sum3A_6 = arith.constant dense<0.000000e+00> : vector<40000xf32>
    %reduce_sum3A_7 = vector.multi_reduction <add>, %slice3A_5, %reduce_sum3A_6 [0] : vector<16x40000xf32> to vector<40000xf32>
    %broadcast_in_dim3A_8 = vector.shape_cast %reduce_sum3A_7 : vector<40000xf32> to vector<1x40000xf32>
    %swap3A_9 = arith.constant 0 : index
    %swap3A_10 = arith.constant 0 : index
    %swap3A_11 = vector.load %arg3[%swap3A_9, %swap3A_10] : memref<1x40000xf32, #tpu.memory_space<vmem>>, vector<1x40000xf32>
    tpu.vector_store %arg3[%swap3A_9, %swap3A_10], %broadcast_in_dim3A_8 {strides = array<i32>} : memref<1x40000xf32, #tpu.memory_space<vmem>>, vector<1x40000xf32>,
    return
  }
  func.func @transform_0(%arg0: i32) -> (i32, i32) {
    %c0_i32 = arith.constant 0 : i32
    %c0_i32_0 = arith.constant 0 : i32
    %c0_i32_1 = arith.constant 0 : i32
    return %c0_i32, %c0_i32_0 : i32, i32
  }
  func.func @transform_1(%arg0: i32) -> (i32, i32) {
    %c0_i32 = arith.constant 0 : i32
    %c0_i32_0 = arith.constant 0 : i32
    %c0_i32_1 = arith.constant 0 : i32
    return %c0_i32, %c0_i32_0 : i32, i32
  }
  func.func @transform_2(%arg0: i32) -> (i32, i32) {
    %c0_i32 = arith.constant 0 : i32
    %c0_i32_0 = arith.constant 0 : i32
    %c0_i32_1 = arith.constant 0 : i32
    return %c0_i32, %c0_i32_0 : i32, i32
  }
}

module attributes {stable_mosaic.version = 14 : i64} {
  func.func @_post_body(%arg0: i32, %arg1: memref<2000x4xf32, #tpu.memory_space<vmem>>, %arg2: memref<2000x4xf32, #tpu.memory_space<vmem>>, %arg3: memref<2000x4xf32, #tpu.memory_space<vmem>>, %arg4: memref<2000x4xf32, #tpu.memory_space<vmem>>, %arg5: memref<2000x1xf32, #tpu.memory_space<vmem>>, %arg6: memref<2000x128xf32, #tpu.memory_space<vmem>>, %arg7: memref<2000x1xi32, #tpu.memory_space<vmem>>, %arg8: memref<64x64xf32, #tpu.memory_space<vmem>>, %arg9: memref<8x32xf32, #tpu.memory_space<vmem>>, %arg10: memref<1x32xf32, #tpu.memory_space<vmem>>, %arg11: memref<32x16xf32, #tpu.memory_space<vmem>>, %arg12: memref<1x16xf32, #tpu.memory_space<vmem>>, %arg13: memref<16x128xf32, #tpu.memory_space<vmem>>, %arg14: memref<1x128xf32, #tpu.memory_space<vmem>>, %arg15: memref<256x32xf32, #tpu.memory_space<vmem>>, %arg16: memref<1x32xf32, #tpu.memory_space<vmem>>, %arg17: memref<32x16xf32, #tpu.memory_space<vmem>>, %arg18: memref<1x16xf32, #tpu.memory_space<vmem>>, %arg19: memref<16x128xf32, #tpu.memory_space<vmem>>, %arg20: memref<1x128xf32, #tpu.memory_space<vmem>>, %arg21: memref<128x32xf32, #tpu.memory_space<vmem>>, %arg22: memref<1x32xf32, #tpu.memory_space<vmem>>, %arg23: memref<32x16xf32, #tpu.memory_space<vmem>>, %arg24: memref<1x16xf32, #tpu.memory_space<vmem>>, %arg25: memref<16x128xf32, #tpu.memory_space<vmem>>, %arg26: memref<1x128xf32, #tpu.memory_space<vmem>>, %arg27: memref<2000x128xf32, #tpu.memory_space<vmem>>, %arg28: memref<64x128xf32, #tpu.memory_space<vmem>>, %arg29: memref<64x128xf32, #tpu.memory_space<vmem>>, %arg30: memref<64x256xf32, #tpu.memory_space<vmem>>) attributes {dimension_semantics = [#tpu.dimension_semantics<arbitrary>], iteration_bounds = array<i64: 5>, scalar_prefetch = 0 : i64, scratch_operands = 1 : i64, tpu.core_type = #tpu.core_type<tc>, window_params = [{transform_indices = @transform_0, window_bounds = array<i64: 2000, 4>}, {transform_indices = @transform_1, window_bounds = array<i64: 2000, 4>}, {transform_indices = @transform_2, window_bounds = array<i64: 2000, 4>}, {transform_indices = @transform_3, window_bounds = array<i64: 2000, 4>}, {transform_indices = @transform_4, window_bounds = array<i64: 2000, 1>}, {transform_indices = @transform_5, window_bounds = array<i64: 2000, 128>}, {transform_indices = @transform_6, window_bounds = array<i64: 2000, 1>}, {pipeline_mode = #tpu.pipeline_mode<synchronous>, transform_indices = @transform_7, window_bounds = array<i64: 64, 64>}, {pipeline_mode = #tpu.pipeline_mode<synchronous>, transform_indices = @transform_8, window_bounds = array<i64: 8, 32>}, {pipeline_mode = #tpu.pipeline_mode<synchronous>, transform_indices = @transform_9, window_bounds = array<i64: 1, 32>}, {pipeline_mode = #tpu.pipeline_mode<synchronous>, transform_indices = @transform_10, window_bounds = array<i64: 32, 16>}, {pipeline_mode = #tpu.pipeline_mode<synchronous>, transform_indices = @transform_11, window_bounds = array<i64: 1, 16>}, {pipeline_mode = #tpu.pipeline_mode<synchronous>, transform_indices = @transform_12, window_bounds = array<i64: 16, 128>}, {pipeline_mode = #tpu.pipeline_mode<synchronous>, transform_indices = @transform_13, window_bounds = array<i64: 1, 128>}, {pipeline_mode = #tpu.pipeline_mode<synchronous>, transform_indices = @transform_14, window_bounds = array<i64: 256, 32>}, {pipeline_mode = #tpu.pipeline_mode<synchronous>, transform_indices = @transform_15, window_bounds = array<i64: 1, 32>}, {pipeline_mode = #tpu.pipeline_mode<synchronous>, transform_indices = @transform_16, window_bounds = array<i64: 32, 16>}, {pipeline_mode = #tpu.pipeline_mode<synchronous>, transform_indices = @transform_17, window_bounds = array<i64: 1, 16>}, {pipeline_mode = #tpu.pipeline_mode<synchronous>, transform_indices = @transform_18, window_bounds = array<i64: 16, 128>}, {pipeline_mode = #tpu.pipeline_mode<synchronous>, transform_indices = @transform_19, window_bounds = array<i64: 1, 128>}, {pipeline_mode = #tpu.pipeline_mode<synchronous>, transform_indices = @transform_20, window_bounds = array<i64: 128, 32>}, {pipeline_mode = #tpu.pipeline_mode<synchronous>, transform_indices = @transform_21, window_bounds = array<i64: 1, 32>}, {pipeline_mode = #tpu.pipeline_mode<synchronous>, transform_indices = @transform_22, window_bounds = array<i64: 32, 16>}, {pipeline_mode = #tpu.pipeline_mode<synchronous>, transform_indices = @transform_23, window_bounds = array<i64: 1, 16>}, {pipeline_mode = #tpu.pipeline_mode<synchronous>, transform_indices = @transform_24, window_bounds = array<i64: 16, 128>}, {pipeline_mode = #tpu.pipeline_mode<synchronous>, transform_indices = @transform_25, window_bounds = array<i64: 1, 128>}, {transform_indices = @transform_26, window_bounds = array<i64: 2000, 128>}, {pipeline_mode = #tpu.pipeline_mode<synchronous>, transform_indices = @transform_27, window_bounds = array<i64: 64, 128>}, {pipeline_mode = #tpu.pipeline_mode<synchronous>, transform_indices = @transform_28, window_bounds = array<i64: 64, 128>}]} {
    %get3A = arith.constant 0 : index
    %get3A_0 = arith.constant 0 : index
    %get3A_1 = vector.load %arg1[%get3A, %get3A_0] : memref<2000x4xf32, #tpu.memory_space<vmem>>, vector<2000x4xf32>
    %get3A_2 = arith.constant 0 : index
    %get3A_3 = arith.constant 0 : index
    %get3A_4 = vector.load %arg3[%get3A_2, %get3A_3] : memref<2000x4xf32, #tpu.memory_space<vmem>>, vector<2000x4xf32>
    %add3A = arith.addf %get3A_1, %get3A_4 : vector<2000x4xf32>
    %get3A_5 = arith.constant 0 : index
    %get3A_6 = arith.constant 0 : index
    %get3A_7 = vector.load %arg2[%get3A_5, %get3A_6] : memref<2000x4xf32, #tpu.memory_space<vmem>>, vector<2000x4xf32>
    %get3A_8 = arith.constant 0 : index
    %get3A_9 = arith.constant 0 : index
    %get3A_10 = vector.load %arg4[%get3A_8, %get3A_9] : memref<2000x4xf32, #tpu.memory_space<vmem>>, vector<2000x4xf32>
    %add3A_11 = arith.addf %get3A_7, %get3A_10 : vector<2000x4xf32>
    %concatenate3A = tpu.concatenate %add3A, %add3A_11 in 1 : vector<2000x4xf32>, vector<2000x4xf32> -> vector<2000x8xf32>
    %get3A_12 = arith.constant 0 : index
    %get3A_13 = arith.constant 0 : index
    %get3A_14 = vector.load %arg5[%get3A_12, %get3A_13] : memref<2000x1xf32, #tpu.memory_space<vmem>>, vector<2000x1xf32>
    %mul3A = vector.broadcast %get3A_14 : vector<2000x1xf32> to vector<2000x8xf32>
    %mul3A_15 = arith.mulf %mul3A, %concatenate3A : vector<2000x8xf32>
    %get3A_16 = arith.constant 0 : index
    %get3A_17 = arith.constant 0 : index
    %get3A_18 = vector.load %arg9[%get3A_16, %get3A_17] : memref<8x32xf32, #tpu.memory_space<vmem>>, vector<8x32xf32>
    %get3A_19 = arith.constant 0 : index
    %get3A_20 = arith.constant 0 : index
    %get3A_21 = vector.load %arg10[%get3A_19, %get3A_20] : memref<1x32xf32, #tpu.memory_space<vmem>>, vector<1x32xf32>
    %dot_general3A = arith.constant dense<0.000000e+00> : vector<2000x32xf32>
    %dot_general3A_22 = tpu.matmul %mul3A_15, %get3A_18, %dot_general3A {dimension_numbers = #tpu.dot_dimension_numbers<[1], [0], [0], [1], [0, 0, 1, 1], [], []>, precision = #tpu.contract_precision<fp32>, transpose_lhs_hint = false} : vector<2000x8xf32>, vector<8x32xf32>, vector<2000x32xf32> -> vector<2000x32xf32>
    %add3A_23 = vector.broadcast %get3A_21 : vector<1x32xf32> to vector<2000x32xf32>
    %add3A_24 = arith.addf %dot_general3A_22, %add3A_23 : vector<2000x32xf32>
    %max3A = arith.constant 0.000000e+00 : f32
    %max3A_25 = vector.broadcast %max3A : f32 to vector<2000x32xf32>
    %max3A_26 = arith.maximumf %add3A_24, %max3A_25 : vector<2000x32xf32>
    %get3A_27 = arith.constant 0 : index
    %get3A_28 = arith.constant 0 : index
    %get3A_29 = vector.load %arg11[%get3A_27, %get3A_28] : memref<32x16xf32, #tpu.memory_space<vmem>>, vector<32x16xf32>
    %get3A_30 = arith.constant 0 : index
    %get3A_31 = arith.constant 0 : index
    %get3A_32 = vector.load %arg12[%get3A_30, %get3A_31] : memref<1x16xf32, #tpu.memory_space<vmem>>, vector<1x16xf32>
    %dot_general3A_33 = arith.constant dense<0.000000e+00> : vector<2000x16xf32>
    %dot_general3A_34 = tpu.matmul %max3A_26, %get3A_29, %dot_general3A_33 {dimension_numbers = #tpu.dot_dimension_numbers<[1], [0], [0], [1], [0, 0, 1, 1], [], []>, precision = #tpu.contract_precision<fp32>, transpose_lhs_hint = false} : vector<2000x32xf32>, vector<32x16xf32>, vector<2000x16xf32> -> vector<2000x16xf32>
    %add3A_35 = vector.broadcast %get3A_32 : vector<1x16xf32> to vector<2000x16xf32>
    %add3A_36 = arith.addf %dot_general3A_34, %add3A_35 : vector<2000x16xf32>
    %max3A_37 = arith.constant 0.000000e+00 : f32
    %max3A_38 = vector.broadcast %max3A_37 : f32 to vector<2000x16xf32>
    %max3A_39 = arith.maximumf %add3A_36, %max3A_38 : vector<2000x16xf32>
    %get3A_40 = arith.constant 0 : index
    %get3A_41 = arith.constant 0 : index
    %get3A_42 = vector.load %arg13[%get3A_40, %get3A_41] : memref<16x128xf32, #tpu.memory_space<vmem>>, vector<16x128xf32>
    %get3A_43 = arith.constant 0 : index
    %get3A_44 = arith.constant 0 : index
    %get3A_45 = vector.load %arg14[%get3A_43, %get3A_44] : memref<1x128xf32, #tpu.memory_space<vmem>>, vector<1x128xf32>
    %dot_general3A_46 = arith.constant dense<0.000000e+00> : vector<2000x128xf32>
    %dot_general3A_47 = tpu.matmul %max3A_39, %get3A_42, %dot_general3A_46 {dimension_numbers = #tpu.dot_dimension_numbers<[1], [0], [0], [1], [0, 0, 1, 1], [], []>, precision = #tpu.contract_precision<fp32>, transpose_lhs_hint = false} : vector<2000x16xf32>, vector<16x128xf32>, vector<2000x128xf32> -> vector<2000x128xf32>
    %add3A_48 = vector.broadcast %get3A_45 : vector<1x128xf32> to vector<2000x128xf32>
    %add3A_49 = arith.addf %dot_general3A_47, %add3A_48 : vector<2000x128xf32>
    %swap3A = arith.constant 0 : index
    %swap3A_50 = arith.constant 0 : index
    %swap3A_51 = vector.load %arg27[%swap3A, %swap3A_50] : memref<2000x128xf32, #tpu.memory_space<vmem>>, vector<2000x128xf32>
    tpu.vector_store %arg27[%swap3A, %swap3A_50], %add3A_49 {strides = array<i32>} : memref<2000x128xf32, #tpu.memory_space<vmem>>, vector<2000x128xf32>,
    %get3A_52 = arith.constant 0 : index
    %get3A_53 = arith.constant 0 : index
    %get3A_54 = vector.load %arg7[%get3A_52, %get3A_53] : memref<2000x1xi32, #tpu.memory_space<vmem>>, vector<2000x1xi32>
    %iota3A = tpu.iota {dimensions = array<i32: 1>} : vector<2000x64xi32>
    %eq3A = vector.broadcast %get3A_54 : vector<2000x1xi32> to vector<2000x64xi32>
    %eq3A_55 = arith.cmpi eq, %eq3A, %iota3A : vector<2000x64xi32>
    %convert_element_type3A = arith.extui %eq3A_55 : vector<2000x64xi1> to vector<2000x64xi32>
    %convert_element_type3A_56 = arith.sitofp %convert_element_type3A : vector<2000x64xi32> to vector<2000x64xf32>
    %get3A_57 = arith.constant 0 : index
    %get3A_58 = arith.constant 0 : index
    %get3A_59 = vector.load %arg6[%get3A_57, %get3A_58] : memref<2000x128xf32, #tpu.memory_space<vmem>>, vector<2000x128xf32>
    %concatenate3A_60 = tpu.concatenate %get3A_59, %add3A_49 in 1 : vector<2000x128xf32>, vector<2000x128xf32> -> vector<2000x256xf32>
    %dot_general3A_61 = arith.constant dense<0.000000e+00> : vector<64x256xf32>
    %dot_general3A_62 = tpu.matmul %convert_element_type3A_56, %concatenate3A_60, %dot_general3A_61 {dimension_numbers = #tpu.dot_dimension_numbers<[0], [0], [1], [1], [0, 1, 1, 1], [], []>, precision = #tpu.contract_precision<fp32>, transpose_lhs_hint = false} : vector<2000x64xf32>, vector<2000x256xf32>, vector<64x256xf32> -> vector<64x256xf32>
    %eq3A_63 = arith.constant 0 : i32
    %eq3A_64 = arith.cmpi eq, %arg0, %eq3A_63 : i32
    %convert_element_type3A_65 = arith.extui %eq3A_64 : i1 to i32
    %cond3A = arith.constant 0 : i32
    %cond3A_66 = arith.cmpi ne, %convert_element_type3A_65, %cond3A : i32
    scf.if %cond3A_66 {
      %broadcast_in_dim3A = arith.constant 0.000000e+00 : f32
      %broadcast_in_dim3A_79 = vector.broadcast %broadcast_in_dim3A : f32 to vector<64x256xf32>
      %swap3A_80 = arith.constant 0 : index
      %swap3A_81 = arith.constant 0 : index
      %swap3A_82 = vector.load %arg30[%swap3A_80, %swap3A_81] : memref<64x256xf32, #tpu.memory_space<vmem>>, vector<64x256xf32>
      tpu.vector_store %arg30[%swap3A_80, %swap3A_81], %broadcast_in_dim3A_79 {strides = array<i32>} : memref<64x256xf32, #tpu.memory_space<vmem>>, vector<64x256xf32>,
    } else {
    }
    %get3A_67 = arith.constant 0 : index
    %get3A_68 = arith.constant 0 : index
    %get3A_69 = vector.load %arg30[%get3A_67, %get3A_68] : memref<64x256xf32, #tpu.memory_space<vmem>>, vector<64x256xf32>
    %add3A_70 = arith.addf %get3A_69, %dot_general3A_62 : vector<64x256xf32>
    %swap3A_71 = arith.constant 0 : index
    %swap3A_72 = arith.constant 0 : index
    %swap3A_73 = vector.load %arg30[%swap3A_71, %swap3A_72] : memref<64x256xf32, #tpu.memory_space<vmem>>, vector<64x256xf32>
    tpu.vector_store %arg30[%swap3A_71, %swap3A_72], %add3A_70 {strides = array<i32>} : memref<64x256xf32, #tpu.memory_space<vmem>>, vector<64x256xf32>,
    %eq3A_74 = arith.constant 4 : i32
    %eq3A_75 = arith.cmpi eq, %arg0, %eq3A_74 : i32
    %convert_element_type3A_76 = arith.extui %eq3A_75 : i1 to i32
    %cond3A_77 = arith.constant 0 : i32
    %cond3A_78 = arith.cmpi ne, %convert_element_type3A_76, %cond3A_77 : i32
    scf.if %cond3A_78 {
      %get3A_79 = arith.constant 0 : index
      %get3A_80 = arith.constant 0 : index
      %get3A_81 = vector.load %arg30[%get3A_79, %get3A_80] : memref<64x256xf32, #tpu.memory_space<vmem>>, vector<64x256xf32>
      %get3A_82 = arith.constant 0 : index
      %get3A_83 = arith.constant 0 : index
      %get3A_84 = vector.load %arg15[%get3A_82, %get3A_83] : memref<256x32xf32, #tpu.memory_space<vmem>>, vector<256x32xf32>
      %get3A_85 = arith.constant 0 : index
      %get3A_86 = arith.constant 0 : index
      %get3A_87 = vector.load %arg16[%get3A_85, %get3A_86] : memref<1x32xf32, #tpu.memory_space<vmem>>, vector<1x32xf32>
      %dot_general3A_88 = arith.constant dense<0.000000e+00> : vector<64x32xf32>
      %dot_general3A_89 = tpu.matmul %get3A_81, %get3A_84, %dot_general3A_88 {dimension_numbers = #tpu.dot_dimension_numbers<[1], [0], [0], [1], [0, 0, 1, 1], [], []>, precision = #tpu.contract_precision<fp32>, transpose_lhs_hint = false} : vector<64x256xf32>, vector<256x32xf32>, vector<64x32xf32> -> vector<64x32xf32>
      %add3A_90 = vector.broadcast %get3A_87 : vector<1x32xf32> to vector<64x32xf32>
      %add3A_91 = arith.addf %dot_general3A_89, %add3A_90 : vector<64x32xf32>
      %max3A_92 = arith.constant 0.000000e+00 : f32
      %max3A_93 = vector.broadcast %max3A_92 : f32 to vector<64x32xf32>
      %max3A_94 = arith.maximumf %add3A_91, %max3A_93 : vector<64x32xf32>
      %get3A_95 = arith.constant 0 : index
      %get3A_96 = arith.constant 0 : index
      %get3A_97 = vector.load %arg17[%get3A_95, %get3A_96] : memref<32x16xf32, #tpu.memory_space<vmem>>, vector<32x16xf32>
      %get3A_98 = arith.constant 0 : index
      %get3A_99 = arith.constant 0 : index
      %get3A_100 = vector.load %arg18[%get3A_98, %get3A_99] : memref<1x16xf32, #tpu.memory_space<vmem>>, vector<1x16xf32>
      %dot_general3A_101 = arith.constant dense<0.000000e+00> : vector<64x16xf32>
      %dot_general3A_102 = tpu.matmul %max3A_94, %get3A_97, %dot_general3A_101 {dimension_numbers = #tpu.dot_dimension_numbers<[1], [0], [0], [1], [0, 0, 1, 1], [], []>, precision = #tpu.contract_precision<fp32>, transpose_lhs_hint = false} : vector<64x32xf32>, vector<32x16xf32>, vector<64x16xf32> -> vector<64x16xf32>
      %add3A_103 = vector.broadcast %get3A_100 : vector<1x16xf32> to vector<64x16xf32>
      %add3A_104 = arith.addf %dot_general3A_102, %add3A_103 : vector<64x16xf32>
      %max3A_105 = arith.constant 0.000000e+00 : f32
      %max3A_106 = vector.broadcast %max3A_105 : f32 to vector<64x16xf32>
      %max3A_107 = arith.maximumf %add3A_104, %max3A_106 : vector<64x16xf32>
      %get3A_108 = arith.constant 0 : index
      %get3A_109 = arith.constant 0 : index
      %get3A_110 = vector.load %arg19[%get3A_108, %get3A_109] : memref<16x128xf32, #tpu.memory_space<vmem>>, vector<16x128xf32>
      %get3A_111 = arith.constant 0 : index
      %get3A_112 = arith.constant 0 : index
      %get3A_113 = vector.load %arg20[%get3A_111, %get3A_112] : memref<1x128xf32, #tpu.memory_space<vmem>>, vector<1x128xf32>
      %dot_general3A_114 = arith.constant dense<0.000000e+00> : vector<64x128xf32>
      %dot_general3A_115 = tpu.matmul %max3A_107, %get3A_110, %dot_general3A_114 {dimension_numbers = #tpu.dot_dimension_numbers<[1], [0], [0], [1], [0, 0, 1, 1], [], []>, precision = #tpu.contract_precision<fp32>, transpose_lhs_hint = false} : vector<64x16xf32>, vector<16x128xf32>, vector<64x128xf32> -> vector<64x128xf32>
      %add3A_116 = vector.broadcast %get3A_113 : vector<1x128xf32> to vector<64x128xf32>
      %add3A_117 = arith.addf %dot_general3A_115, %add3A_116 : vector<64x128xf32>
      %swap3A_118 = arith.constant 0 : index
      %swap3A_119 = arith.constant 0 : index
      %swap3A_120 = vector.load %arg28[%swap3A_118, %swap3A_119] : memref<64x128xf32, #tpu.memory_space<vmem>>, vector<64x128xf32>
      tpu.vector_store %arg28[%swap3A_118, %swap3A_119], %add3A_117 {strides = array<i32>} : memref<64x128xf32, #tpu.memory_space<vmem>>, vector<64x128xf32>,
      %get3A_121 = arith.constant 0 : index
      %get3A_122 = arith.constant 0 : index
      %get3A_123 = vector.load %arg8[%get3A_121, %get3A_122] : memref<64x64xf32, #tpu.memory_space<vmem>>, vector<64x64xf32>
      %dot_general3A_124 = arith.constant dense<0.000000e+00> : vector<64x128xf32>
      %dot_general3A_125 = tpu.matmul %get3A_123, %add3A_117, %dot_general3A_124 {dimension_numbers = #tpu.dot_dimension_numbers<[1], [0], [0], [1], [0, 0, 1, 1], [], []>, precision = #tpu.contract_precision<fp32>, transpose_lhs_hint = false} : vector<64x64xf32>, vector<64x128xf32>, vector<64x128xf32> -> vector<64x128xf32>
      %get3A_126 = arith.constant 0 : index
      %get3A_127 = arith.constant 0 : index
      %get3A_128 = vector.load %arg21[%get3A_126, %get3A_127] : memref<128x32xf32, #tpu.memory_space<vmem>>, vector<128x32xf32>
      %get3A_129 = arith.constant 0 : index
      %get3A_130 = arith.constant 0 : index
      %get3A_131 = vector.load %arg22[%get3A_129, %get3A_130] : memref<1x32xf32, #tpu.memory_space<vmem>>, vector<1x32xf32>
      %dot_general3A_132 = arith.constant dense<0.000000e+00> : vector<64x32xf32>
      %dot_general3A_133 = tpu.matmul %dot_general3A_125, %get3A_128, %dot_general3A_132 {dimension_numbers = #tpu.dot_dimension_numbers<[1], [0], [0], [1], [0, 0, 1, 1], [], []>, precision = #tpu.contract_precision<fp32>, transpose_lhs_hint = false} : vector<64x128xf32>, vector<128x32xf32>, vector<64x32xf32> -> vector<64x32xf32>
      %add3A_134 = vector.broadcast %get3A_131 : vector<1x32xf32> to vector<64x32xf32>
      %add3A_135 = arith.addf %dot_general3A_133, %add3A_134 : vector<64x32xf32>
      %max3A_136 = arith.constant 0.000000e+00 : f32
      %max3A_137 = vector.broadcast %max3A_136 : f32 to vector<64x32xf32>
      %max3A_138 = arith.maximumf %add3A_135, %max3A_137 : vector<64x32xf32>
      %get3A_139 = arith.constant 0 : index
      %get3A_140 = arith.constant 0 : index
      %get3A_141 = vector.load %arg23[%get3A_139, %get3A_140] : memref<32x16xf32, #tpu.memory_space<vmem>>, vector<32x16xf32>
      %get3A_142 = arith.constant 0 : index
      %get3A_143 = arith.constant 0 : index
      %get3A_144 = vector.load %arg24[%get3A_142, %get3A_143] : memref<1x16xf32, #tpu.memory_space<vmem>>, vector<1x16xf32>
      %dot_general3A_145 = arith.constant dense<0.000000e+00> : vector<64x16xf32>
      %dot_general3A_146 = tpu.matmul %max3A_138, %get3A_141, %dot_general3A_145 {dimension_numbers = #tpu.dot_dimension_numbers<[1], [0], [0], [1], [0, 0, 1, 1], [], []>, precision = #tpu.contract_precision<fp32>, transpose_lhs_hint = false} : vector<64x32xf32>, vector<32x16xf32>, vector<64x16xf32> -> vector<64x16xf32>
      %add3A_147 = vector.broadcast %get3A_144 : vector<1x16xf32> to vector<64x16xf32>
      %add3A_148 = arith.addf %dot_general3A_146, %add3A_147 : vector<64x16xf32>
      %max3A_149 = arith.constant 0.000000e+00 : f32
      %max3A_150 = vector.broadcast %max3A_149 : f32 to vector<64x16xf32>
      %max3A_151 = arith.maximumf %add3A_148, %max3A_150 : vector<64x16xf32>
      %get3A_152 = arith.constant 0 : index
      %get3A_153 = arith.constant 0 : index
      %get3A_154 = vector.load %arg25[%get3A_152, %get3A_153] : memref<16x128xf32, #tpu.memory_space<vmem>>, vector<16x128xf32>
      %get3A_155 = arith.constant 0 : index
      %get3A_156 = arith.constant 0 : index
      %get3A_157 = vector.load %arg26[%get3A_155, %get3A_156] : memref<1x128xf32, #tpu.memory_space<vmem>>, vector<1x128xf32>
      %dot_general3A_158 = arith.constant dense<0.000000e+00> : vector<64x128xf32>
      %dot_general3A_159 = tpu.matmul %max3A_151, %get3A_154, %dot_general3A_158 {dimension_numbers = #tpu.dot_dimension_numbers<[1], [0], [0], [1], [0, 0, 1, 1], [], []>, precision = #tpu.contract_precision<fp32>, transpose_lhs_hint = false} : vector<64x16xf32>, vector<16x128xf32>, vector<64x128xf32> -> vector<64x128xf32>
      %add3A_160 = vector.broadcast %get3A_157 : vector<1x128xf32> to vector<64x128xf32>
      %add3A_161 = arith.addf %dot_general3A_159, %add3A_160 : vector<64x128xf32>
      %swap3A_162 = arith.constant 0 : index
      %swap3A_163 = arith.constant 0 : index
      %swap3A_164 = vector.load %arg29[%swap3A_162, %swap3A_163] : memref<64x128xf32, #tpu.memory_space<vmem>>, vector<64x128xf32>
      tpu.vector_store %arg29[%swap3A_162, %swap3A_163], %add3A_161 {strides = array<i32>} : memref<64x128xf32, #tpu.memory_space<vmem>>, vector<64x128xf32>,
    } else {
    }
    return
  }
  func.func @transform_0(%arg0: i32) -> (i32, i32) {
    %c0_i32 = arith.constant 0 : i32
    %c0_i32_0 = arith.constant 0 : i32
    return %arg0, %c0_i32 : i32, i32
  }
  func.func @transform_1(%arg0: i32) -> (i32, i32) {
    %c0_i32 = arith.constant 0 : i32
    %c0_i32_0 = arith.constant 0 : i32
    return %arg0, %c0_i32 : i32, i32
  }
  func.func @transform_2(%arg0: i32) -> (i32, i32) {
    %c0_i32 = arith.constant 0 : i32
    %c0_i32_0 = arith.constant 0 : i32
    return %arg0, %c0_i32 : i32, i32
  }
  func.func @transform_3(%arg0: i32) -> (i32, i32) {
    %c0_i32 = arith.constant 0 : i32
    %c0_i32_0 = arith.constant 0 : i32
    return %arg0, %c0_i32 : i32, i32
  }
  func.func @transform_4(%arg0: i32) -> (i32, i32) {
    %c0_i32 = arith.constant 0 : i32
    %c0_i32_0 = arith.constant 0 : i32
    return %arg0, %c0_i32 : i32, i32
  }
  func.func @transform_5(%arg0: i32) -> (i32, i32) {
    %c0_i32 = arith.constant 0 : i32
    %c0_i32_0 = arith.constant 0 : i32
    return %arg0, %c0_i32 : i32, i32
  }
  func.func @transform_6(%arg0: i32) -> (i32, i32) {
    %c0_i32 = arith.constant 0 : i32
    %c0_i32_0 = arith.constant 0 : i32
    return %arg0, %c0_i32 : i32, i32
  }
  func.func @transform_7(%arg0: i32) -> (i32, i32) {
    %c0_i32 = arith.constant 0 : i32
    %c0_i32_0 = arith.constant 0 : i32
    %c0_i32_1 = arith.constant 0 : i32
    return %c0_i32, %c0_i32_0 : i32, i32
  }
  func.func @transform_8(%arg0: i32) -> (i32, i32) {
    %c0_i32 = arith.constant 0 : i32
    %c0_i32_0 = arith.constant 0 : i32
    %c0_i32_1 = arith.constant 0 : i32
    return %c0_i32, %c0_i32_0 : i32, i32
  }
  func.func @transform_9(%arg0: i32) -> (i32, i32) {
    %c0_i32 = arith.constant 0 : i32
    %c0_i32_0 = arith.constant 0 : i32
    %c0_i32_1 = arith.constant 0 : i32
    return %c0_i32, %c0_i32_0 : i32, i32
  }
  func.func @transform_10(%arg0: i32) -> (i32, i32) {
    %c0_i32 = arith.constant 0 : i32
    %c0_i32_0 = arith.constant 0 : i32
    %c0_i32_1 = arith.constant 0 : i32
    return %c0_i32, %c0_i32_0 : i32, i32
  }
  func.func @transform_11(%arg0: i32) -> (i32, i32) {
    %c0_i32 = arith.constant 0 : i32
    %c0_i32_0 = arith.constant 0 : i32
    %c0_i32_1 = arith.constant 0 : i32
    return %c0_i32, %c0_i32_0 : i32, i32
  }
  func.func @transform_12(%arg0: i32) -> (i32, i32) {
    %c0_i32 = arith.constant 0 : i32
    %c0_i32_0 = arith.constant 0 : i32
    %c0_i32_1 = arith.constant 0 : i32
    return %c0_i32, %c0_i32_0 : i32, i32
  }
  func.func @transform_13(%arg0: i32) -> (i32, i32) {
    %c0_i32 = arith.constant 0 : i32
    %c0_i32_0 = arith.constant 0 : i32
    %c0_i32_1 = arith.constant 0 : i32
    return %c0_i32, %c0_i32_0 : i32, i32
  }
  func.func @transform_14(%arg0: i32) -> (i32, i32) {
    %c0_i32 = arith.constant 0 : i32
    %c0_i32_0 = arith.constant 0 : i32
    %c0_i32_1 = arith.constant 0 : i32
    return %c0_i32, %c0_i32_0 : i32, i32
  }
  func.func @transform_15(%arg0: i32) -> (i32, i32) {
    %c0_i32 = arith.constant 0 : i32
    %c0_i32_0 = arith.constant 0 : i32
    %c0_i32_1 = arith.constant 0 : i32
    return %c0_i32, %c0_i32_0 : i32, i32
  }
  func.func @transform_16(%arg0: i32) -> (i32, i32) {
    %c0_i32 = arith.constant 0 : i32
    %c0_i32_0 = arith.constant 0 : i32
    %c0_i32_1 = arith.constant 0 : i32
    return %c0_i32, %c0_i32_0 : i32, i32
  }
  func.func @transform_17(%arg0: i32) -> (i32, i32) {
    %c0_i32 = arith.constant 0 : i32
    %c0_i32_0 = arith.constant 0 : i32
    %c0_i32_1 = arith.constant 0 : i32
    return %c0_i32, %c0_i32_0 : i32, i32
  }
  func.func @transform_18(%arg0: i32) -> (i32, i32) {
    %c0_i32 = arith.constant 0 : i32
    %c0_i32_0 = arith.constant 0 : i32
    %c0_i32_1 = arith.constant 0 : i32
    return %c0_i32, %c0_i32_0 : i32, i32
  }
  func.func @transform_19(%arg0: i32) -> (i32, i32) {
    %c0_i32 = arith.constant 0 : i32
    %c0_i32_0 = arith.constant 0 : i32
    %c0_i32_1 = arith.constant 0 : i32
    return %c0_i32, %c0_i32_0 : i32, i32
  }
  func.func @transform_20(%arg0: i32) -> (i32, i32) {
    %c0_i32 = arith.constant 0 : i32
    %c0_i32_0 = arith.constant 0 : i32
    %c0_i32_1 = arith.constant 0 : i32
    return %c0_i32, %c0_i32_0 : i32, i32
  }
  func.func @transform_21(%arg0: i32) -> (i32, i32) {
    %c0_i32 = arith.constant 0 : i32
    %c0_i32_0 = arith.constant 0 : i32
    %c0_i32_1 = arith.constant 0 : i32
    return %c0_i32, %c0_i32_0 : i32, i32
  }
  func.func @transform_22(%arg0: i32) -> (i32, i32) {
    %c0_i32 = arith.constant 0 : i32
    %c0_i32_0 = arith.constant 0 : i32
    %c0_i32_1 = arith.constant 0 : i32
    return %c0_i32, %c0_i32_0 : i32, i32
  }
  func.func @transform_23(%arg0: i32) -> (i32, i32) {
    %c0_i32 = arith.constant 0 : i32
    %c0_i32_0 = arith.constant 0 : i32
    %c0_i32_1 = arith.constant 0 : i32
    return %c0_i32, %c0_i32_0 : i32, i32
  }
  func.func @transform_24(%arg0: i32) -> (i32, i32) {
    %c0_i32 = arith.constant 0 : i32
    %c0_i32_0 = arith.constant 0 : i32
    %c0_i32_1 = arith.constant 0 : i32
    return %c0_i32, %c0_i32_0 : i32, i32
  }
  func.func @transform_25(%arg0: i32) -> (i32, i32) {
    %c0_i32 = arith.constant 0 : i32
    %c0_i32_0 = arith.constant 0 : i32
    %c0_i32_1 = arith.constant 0 : i32
    return %c0_i32, %c0_i32_0 : i32, i32
  }
  func.func @transform_26(%arg0: i32) -> (i32, i32) {
    %c0_i32 = arith.constant 0 : i32
    %c0_i32_0 = arith.constant 0 : i32
    return %arg0, %c0_i32 : i32, i32
  }
  func.func @transform_27(%arg0: i32) -> (i32, i32) {
    %c0_i32 = arith.constant 0 : i32
    %c0_i32_0 = arith.constant 0 : i32
    %c0_i32_1 = arith.constant 0 : i32
    return %c0_i32, %c0_i32_0 : i32, i32
  }
  func.func @transform_28(%arg0: i32) -> (i32, i32) {
    %c0_i32 = arith.constant 0 : i32
    %c0_i32_0 = arith.constant 0 : i32
    %c0_i32_1 = arith.constant 0 : i32
    return %c0_i32, %c0_i32_0 : i32, i32
  }
}

</mosaic_0001>

<sc_bundles>
// kernel: kernel.10.cloned.1.call-start
scs
__scs_entry_jumppad:
0x0: {  	(pc) =	sbr.rel $0x88, $3  }
0x1: {  	(tag) =	ssettag $0x0;
	lr =	simm.s32 $0x1  }
0x2: {  	[smem:$0x3F85] =	sst lr;
	_ =	strace $0xD0000000  }
0x3: {  	_ = 	snop  }
0x4: {  	_ = 	snop  }
0x5: {  	_ = 	snop  }
0x6: {  	_ = 	snop  }
0x7: {  	_ = 	snop  }
__scs_overlays_trampoline_lowered:
0x8: {  	[smem:$0x3F94] =	sst s0  }
0x9: {  	[smem:$0x3F95] =	sst s1  }
0xa: {  	[smem:$0x3F96] =	sst s2  }
0xb: {  	[smem:$0x3F97] =	sst s3  }
0xc: {  	[smem:$0x3F98] =	sst s4  }
0xd: {  	[smem:$0x3F99] =	sst s5  }
0xe: {  	[smem:$0x3F9A] =	sst s6  }
0xf: {  	[smem:$0x3F9B] =	sst s7  }
0x10: {  	[smem:$0x3F9C] =	sst s8  }
0x11: {  	[smem:$0x3F9D] =	sst s9;
	s0 =	simm.s32 @!p0 $0x0  }
0x12: {  	s1 =	sld [smem:$0x3F83];
	s0 =	simm.s32 @p0 $0x1  }
0x13: {  	[smem:$0x3F9E] =	sst s0;
	s0 =	simm.s32 @!p1 $0x0  }
0x14: {  	s2 =	sld [smem:$0x3F82];
	s0 =	simm.s32 @p1 $0x1  }
0x15: {  	[smem:$0x3F9F] =	sst s0;
	s0 =	simm.s32 @!p2 $0x0  }
0x16: {  	s3 =	sld [smem:$0x3FDB];
	s0 =	simm.s32 @p2 $0x1  }
0x17: {  	s4 =	simm.s32 $0x1BF5;
	[smem:$0x3FA1] =	sst s0  }
0x18: {  	s0 =	sld [smem:$0x3F84];
	_ =	swait.ge [sflag:s4], $0x0  }
0x19: {  	s7 =	sld [smem:$0x3F85]  }
0x1a: {  	s8 =	sadd.s32 $0xFFFFE003, lr  }
0x1b: {  	s9 =	sadd.s32 $0xFFFFFEF7, lr;
	s5 =	simm.s32 $0xFFFFFFFF;
	p2 =	slt.u32 s8, $0xFFFFF086  }
0x1c: {  	p1 =	slt.u32 s9, $0xF7A;
	s5 =	simm.s32 @!p2 $0x0  }
0x1d: {  	s5 =	simm.s32 @p1 $0x1;
	p0 =	seq.s32 s7, s2  }
0x1e: {  	s7 =	smul.u32 @!p0 $0xF7A, s2;
	p2 =	seq.s32 @!p0 s5, $0x0  }
0x1f: {  	s9 =	smul.u32 $0xF7A, s1;
	s8 =	simm.s32 @!p0 $0x1BF5;
	p2 =	por !p2, p0  }
0x20: {  	[sflag:s8] =	ssyncset.s32 @!p0 $0xFFFFF086;
	s6 =	sadd.s32 @!p0 s3, s7;
	s7 =	simm.s32 @!p0 $0x108  }
0x21: {  	s3 =	sadd.s32 s3, s9;
	s6 =	sadd.s32 @!p0 $0x88, s6;
	s7 =	simm.s32 @p2 $0x1082  }
0x22: {  	[simem:s7], [sflag:s8] =	dma.local @!p0 [hbm:s6], $0xF7A  }
0x23: {  	s9 =	sor.u32 $0xD0000000, s2;
	s6 =	simm.s32 $0x108;
	_ =	swait.ge @!p0 [sflag:s8], $0x0  }
0x24: {  	s3 =	sadd.s32 $0x88, s3;
	s6 =	simm.s32 @!p1 $0x1082;
	[sflag:s4] =	ssyncset.s32 $0xFFFFF086  }
0x25: {  	[simem:s6], [sflag:s4] =	dma.local [hbm:s3], $0xF7A  }
0x26: {  	[smem:$0x3F85] =	sst s1;
	(tag) =	ssettag s2;
	_ =	strace s9  }
0x27: {  	s1 =	sld [smem:$0x3F95]  }
0x28: {  	s2 =	sld [smem:$0x3F96]  }
0x29: {  	s4 =	sld [smem:$0x3F98]  }
0x2a: {  	p0 =	seq.s32 s5, $0x0;
	s5 =	sld [smem:$0x3F99]  }
0x2b: {  	s6 =	sld [smem:$0x3F9A]  }
0x2c: {  	s7 =	sld [smem:$0x3F9B]  }
0x2d: {  	s3 =	simm.s32 $0x108;
	s8 =	sld [smem:$0x3F9C]  }
0x2e: {  	s3 =	simm.s32 @!p0 $0x1082;
	s9 =	sld [smem:$0x3F9D]  }
0x2f: {  	lr =	sadd.s32 s0, s3;
	s0 =	sld [smem:$0x3F94]  }
0x30: {  	s3 =	sld [smem:$0x3F97]  }
0x31: {  	[smem:$0x3FA0] =	sst s10  }
0x32: {  	s10 =	sld [smem:$0x3F9E];
	_ =	sdelay $0x3  }
0x33: {  	p0 =	seq.s32 s10, $0x1;
	s10 =	sld [smem:$0x3FA0];
	_ =	sdelay $0x3  }
0x34: {  	[smem:$0x3FA0] =	sst s10  }
0x35: {  	s10 =	sld [smem:$0x3F9F];
	_ =	sdelay $0x3  }
0x36: {  	p1 =	seq.s32 s10, $0x1;
	s10 =	sld [smem:$0x3FA0];
	_ =	sdelay $0x3  }
0x37: {  	[smem:$0x3FA0] =	sst s10  }
0x38: {  	s10 =	sld [smem:$0x3FA1]  }
0x39: {  	_ = 	snop;
	(pc) =	sbr.ind lr, $3  }
0x3a: {  	_ = 	snop  }
0x3b: {  	_ = 	snop  }
0x3c: {  	p2 =	seq.s32 s10, $0x1;
	s10 =	sld [smem:$0x3FA0]  }
0x3d: {  	_ =	shalt  }
0x3e: {  	_ =	shalt  }
0x3f: {  	_ =	shalt  }
0x40: {  	_ =	shalt  }
0x41: {  	_ =	shalt  }
0x42: {  	_ =	shalt  }
0x43: {  	_ =	shalt  }
0x44: {  	_ =	shalt  }
0x45: {  	_ =	shalt  }
0x46: {  	_ =	shalt  }
0x47: {  	_ =	shalt  }
0x48: {  	_ =	shalt  }
0x49: {  	_ =	shalt  }
0x4a: {  	_ =	shalt  }
0x4b: {  	_ =	shalt  }
0x4c: {  	_ =	shalt  }
0x4d: {  	_ =	shalt  }
0x4e: {  	_ =	shalt  }
0x4f: {  	_ =	shalt  }
0x50: {  	_ =	shalt  }
0x51: {  	_ =	shalt  }
0x52: {  	_ =	shalt  }
0x53: {  	_ =	shalt  }
0x54: {  	_ =	shalt  }
0x55: {  	_ =	shalt  }
0x56: {  	_ =	shalt  }
0x57: {  	_ =	shalt  }
0x58: {  	_ =	shalt  }
0x59: {  	_ =	shalt  }
0x5a: {  	_ =	shalt  }
0x5b: {  	_ =	shalt  }
0x5c: {  	_ =	shalt  }
0x5d: {  	_ =	shalt  }
0x5e: {  	_ =	shalt  }
0x5f: {  	_ =	shalt  }
0x60: {  	_ =	shalt  }
0x61: {  	_ =	shalt  }
0x62: {  	_ =	shalt  }
0x63: {  	_ =	shalt  }
0x64: {  	_ =	shalt  }
0x65: {  	_ =	shalt  }
0x66: {  	_ =	shalt  }
0x67: {  	_ =	shalt  }
0x68: {  	_ =	shalt  }
0x69: {  	_ =	shalt  }
0x6a: {  	_ =	shalt  }
0x6b: {  	_ =	shalt  }
0x6c: {  	_ =	shalt  }
0x6d: {  	_ =	shalt  }
0x6e: {  	_ =	shalt  }
0x6f: {  	_ =	shalt  }
0x70: {  	_ =	shalt  }
0x71: {  	_ =	shalt  }
0x72: {  	_ =	shalt  }
0x73: {  	_ =	shalt  }
0x74: {  	_ =	shalt  }
0x75: {  	_ =	shalt  }
0x76: {  	_ =	shalt  }
0x77: {  	_ =	shalt  }
0x78: {  	_ =	shalt  }
0x79: {  	_ =	shalt  }
0x7a: {  	_ =	shalt  }
0x7b: {  	_ =	shalt  }
0x7c: {  	_ =	shalt  }
0x7d: {  	_ =	shalt  }
0x7e: {  	_ =	shalt  }
0x7f: {  	_ =	shalt  }
0x80: {  	_ =	shalt  }
0x81: {  	_ =	shalt  }
0x82: {  	_ =	shalt  }
0x83: {  	_ =	shalt  }
0x84: {  	_ =	shalt  }
0x85: {  	_ =	shalt  }
0x86: {  	_ =	shalt  }
0x87: {  	_ =	shalt  }
.Lfunc_end0:
.L_simem_size_0:
called_computation.1_lowered:
.L_overlay_start_0:
0x88: {  	s2 =	sld [smem:$0x3FD9]  }
0x89: {  	s3 =	sld [smem:$0x3FFE];
	_ =	sdelay $0x1  }
0x8a: {  	s1 =	srdreg.scid  }
0x8b: {  	s0 =	sand.u32 $0x1, s1  }
0x8c: {  	s16 =	sshll.u32 s0, $0xA;
	s2 =	sadd.s32 s3, s2  }
0x8d: {  	s2 =	sadd.s32 s2, s16  }
0x8e: {  	[smem:$0x3FAC] =	sst s2  }
0x8f: {  	_ = 	snop  }
0x90: {  	(tm) =	ssettm $0x1  }
0x91: {  	s17 =	sld [smem:$0x3FFB];
	_ =	sdelay $0x3  }
0x92: {  	_ =	strace s17  }
0x93: {  	s2 =	sld [smem:$0x3FFC];
	_ =	sdelay $0x3  }
0x94: {  	_ =	strace s2  }
0x95: {  	s2 =	sld [smem:$0x3FFD];
	_ =	sdelay $0x3  }
0x96: {  	_ =	strace s2  }
0x97: {  	_ =	strace $0x8FFFFFFF  }
0x98: {  	s18 =	sld [smem:$0x3FDB];
	_ =	sdelay $0x1  }
0x99: {  	s19 =	simm.s32 $_scs_section_size  }
0x9a: {  	s4 =	simm.s32 $_size__tile_overlayer_lowered;
	s5 =	simm.s32 $_tile_overlayer_lowered  }
0x9b: {  	s22 =	simm.s32 $0x1BFF;
	s21 =	sshll.u32 s5, $0x1;
	s2 =	sadd.s32 s19, s18  }
0x9c: {  	s6 =	simm.s32 $0x0;
	s20 =	sshll.u32 s4, $0x1;
	s4 =	sadd.s32 s21, s2  }
0x9d: {  	[timem:s6], [sflag:s22] =	dma.local [hbm:s4], s20  }
0x9e: {  	_ =	swait.ge [sflag:s22], s20  }
0x9f: {  	s3 =	ssub.s32 $0x0, s20;
	[sflag:s22] =	ssyncset.done $0x0  }
0xa0: {  	[sflag:s22] =	ssyncadd.s32 s3;
	_ =	sdelay $0x1  }
0xa1: {  	s23 =	simm.s32 $0x1B8B  }
0xa2: {  	_ =	swait.ge [sflag:s23], $0x1  }
0xa3: {  	[sflag:s23] =	ssyncset.done $0x0  }
0xa4: {  	s25 =	simm.s32 $0x1B8E;
	s24 =	sld [smem:$0x3FFE];
	[sflag:s23] =	ssyncadd.s32 $0xFFFFFFFF  }
0xa5: {  	s26 =	simm.s32 $execute0_lowered;
	[smem:$0x3FD2] =	sst s25  }
0xa6: {  	s4 =	sshll.u32 s26, $0x1;
	_ =	strace $0x80000049;
	[dreg:$0x1] =	wrdreg $0xFFFFFFFF  }
0xa7: {  	s28 =	simm.s32 $_size_execute0_lowered;
	s2 =	sadd.s32 s2, s4;
	[dreg:$0x0] =	wrdreg $0x0  }
0xa8: {  	s4 =	sshll.u32 s28, $0x1;
	[dreg:$0x2] =	wrdreg s2  }
0xa9: {  	[dreg:$0x3] =	wrdreg s4  }
0xaa: {  	[dreg:$0x4] =	wrdreg $0xC0  }
0xab: {  	_ =	task [dreg:s6], $0x5FFFF  }
0xac: {  	[dreg:$0x1] =	wrdreg $0xFFFFFFFF  }
0xad: {  	[dreg:$0x0] =	wrdreg $0x60  }
0xae: {  	[dreg:$0x2] =	wrdreg s24  }
0xaf: {  	[dreg:$0x3] =	wrdreg $0x9  }
0xb0: {  	_ =	task.clear_ibuf [dreg:s6], $0x4FFFF;
	_ =	strace $0x90000049  }
0xb1: {  	s29 =	simm.s32 $0x9;
	_ =	strace $0x8000004B  }
0xb2: {  	_ =	swait.ge [sflag:s29], $0x1  }
0xb3: {  	[sflag:s29] =	ssyncadd.s32 $0xFFFFFFFF  }
0xb4: {  	_ =	strace $0x9000004B  }
0xb5: {  	_ =	sfence  }
0xb6: {  	s30 =	sld [smem:$0x0];
	_ =	sdelay $0x2  }
0xb7: {  	s31 =	sshll.u32 s1, $0xD;
	s1 =	sshrl.u32 s1, $0x2  }
0xb8: {  	s3 =	sand.u32 $0x4000, s31;
	s1 =	sadd.s32 s1, s30  }
0xb9: {  	s0 =	sor.u32 s3, s0;
	s1 =	sshll.u32 s1, $0x11  }
0xba: {  	s0 =	sor.u32 s1, s0  }
0xbb: {  	s0 =	sadd.s32 $0x8F2B, s0  }
0xbc: {  	[sflag:s0] =	ssyncadd.remote.s32 $0x1  }
0xbd: {  	_ =	sfence.sel $0xFFFF  }
0xbe: {  	[dreg:$0x0] =	wrdreg $0xFFFFFFFF;
	(pc) =	sbr.abs _section_cstart, $3  }
0xbf: {  	[dreg:$0x1] =	wrdreg $0xFFFFFFFF  }
0xc0: {  	_ =	task.clear_ibuf [dreg:s6], $0x2FFFF;
	_ =	strace $0x9FFFFFFF  }
0xc1: {  	(tm) =	ssettm $0x7FFFFFFF  }
tec
execute0_lowered:
.L_overlay_start_1:
0x0: {  	(tag) =	ssettag $0x1  }
0x1: {  	s1 =	srdreg.scid;
	s0 =	stileid.u32  }
0x2: {  	s16 =	rddreg [dreg:$0x0];
	s2 =	simm.s32 $0x0;
	s18 =	simm.s32 $0x3  }
0x3: {  	s19 =	simm.s32 $0xDC80;
	s20 =	simm.s32 $0x1000;
	s21 =	simm.s32 $0x1  }
0x4: {  	s22 =	simm.s32 $0x2000;
	s23 =	simm.s32 $0x3000;
	s24 =	simm.s32 $0x2  }
0x5: {  	s25 =	simm.s32 $0x80;
	s26 =	simm.s32 $0x400;
	s28 =	simm.s32 $0x0  }
0x6: {  	s4 =	sand.u32 $0x1, s1;
	s5 =	sshrl.u32 s0, $0x3;
	s1 =	rddreg [dreg:$0x1]  }
0x7: {  	[smem:$0x7FF] =	sst s2;
	s6 =	sshll.u32 s0, $0x7;
	s7 =	smul.u32 $0x4E20, s0  }
0x8: {  	s12 =	sadd.s32 $0x4400, s16;
	s13 =	sadd.s32 $0xE200, s16;
	s3 =	smul.u32 $0x9C800, s4  }
0x9: {  	s5 =	smul.u32 $0x4E400, s5;
	_ =	strace $0x8000004A;
	s30 =	ssub.s32 $0x2, s4  }
0xa: {  	s29 =	sand.u32 $0x380, s6;
	p0 =	seq.s32 s4, $0x1;
	s31 =	sshrl.u32 s30, $0x1  }
0xb: {  	s17 =	sshrl.u32 s7, $0x3;
	s3 =	sadd.s32 s3, s5;
	s15 =	ssub.s32 s30, s31  }
0xc: {  	s4 =	sadd.s32 s12, s17;
	s7 =	sadd.s32 $0x1F4, s17;
	s9 =	sadd.s32 $0x3E8, s17  }
0xd: {  	s11 =	sadd.s32 $0x5DC, s17;
	s3 =	sor.u32 s29, s3;
	s6 =	sadd.s32 s12, s7  }
0xe: {  	s7 =	sadd.s32 s13, s7;
	s8 =	sadd.s32 s12, s9;
	s9 =	sadd.s32 s13, s9  }
0xf: {  	s10 =	sadd.s32 s12, s11;
	s11 =	sadd.s32 s13, s11;
	s5 =	sshrl.u32 s3, $0x3  }
0x10: {  	s14 =	sadd.s32 s5, s16;
	s5 =	sadd.s32 s13, s17;
	s17 =	sadd.s32 $0x7D0, s17  }
0x11: {  	s12 =	sadd.s32 s12, s17;
	s13 =	sadd.s32 s13, s17;
	s17 =	simm.s32 $0x41A00  }
0x12: {  	s15 =	smax.u32 s15, $0x1;
	s3 =	sadd.s32 $0x18000, s16;
	s17 =	simm.s32 @!p0 $0x40600  }
0x13: {  	s14 =	sadd.s32 $0x42E00, s14;
	s16 =	sadd.s32 s17, s16;
	s17 =	simm.s32 $0x4000  }
.LBB2_1:
0x14: {  	[tilespmem:s17], [sflag:$0x3] =	stream.linear.gather [hbm4b:s16+s2], $0x9C80, $0x38;
	[tilespmem:$0x17900] =	vst v63  }
0x15: {  	_ =	swait.ge [sflag:s18], $0x9C80  }
0x16: {  	[sflag:s18] =	ssyncset.done $0x0  }
0x17: {  	[sflag:s18] =	ssyncadd.s32 $0xFFFF6380  }
0x18: {  	[tilespmem:s19], [sflag:$0x3] =	stream.linear.gather [hbm4b:s3+s2], $0x9C80, $0x38;
	[tilespmem:$0x17900] =	vst v63  }
0x19: {  	_ =	swait.ge [sflag:s18], $0x9C80  }
0x1a: {  	[sflag:s18] =	ssyncset.done $0x0  }
0x1b: {  	[sflag:s18] =	ssyncadd.s32 $0xFFFF6380  }
0x1c: {  	[tilespmem:s2], [sflag:$0x1] =	stream.linear.gather [hbm4b:s4+s2], $0xFA0, $0x38;
	[tilespmem:$0x17900] =	vst v63  }
0x1d: {  	_ = 	snop  }
0x1e: {  	[tilespmem:s20], [sflag:$0x1] =	stream.linear.gather [hbm4b:s5+s2], $0xFA0, $0x38;
	[tilespmem:$0x17900] =	vst v63  }
0x1f: {  	_ =	swait.ge [sflag:s21], $0xFA0  }
0x20: {  	[sflag:s21] =	ssyncset.done $0x0  }
0x21: {  	[sflag:s21] =	ssyncadd.s32 $0xFFFFF060  }
0x22: {  	_ =	swait.ge [sflag:s21], $0xFA0  }
0x23: {  	[sflag:s21] =	ssyncset.done $0x0  }
0x24: {  	[sflag:s21] =	ssyncadd.s32 $0xFFFFF060  }
0x25: {  	[tilespmem:s22], [sflag:$0x2] =	stream.linear.gather [hbm4b:s6+s2], $0xFA0, $0x38;
	[tilespmem:$0x17900] =	vst v63  }
0x26: {  	s30 =	simm.s32 $0x1020  }
0x27: {  	[tilespmem:s23], [sflag:$0x2] =	stream.linear.gather [hbm4b:s7+s2], $0xFA0, $0x38;
	[tilespmem:$0x17900] =	vst v63  }
0x28: {  	v0 =	vld [tilespmem:s30+$0x20]  }
0x29: {  	v2 =	vld [tilespmem:s30+$0xFFFFFFF0]  }
0x2a: {  	v3 =	vld [tilespmem:s30+$0x0]  }
0x2b: {  	v1 =	vld [tilespmem:s30+$0xFFFFFFE0]  }
0x2c: {  	s29 =	simm.s32 $0x20;
	v4 =	vld [tilespmem:s30+$0x10]  }
0x2d: {  	v5 =	vld [tilespmem:s29+$0x20];
	v0 =	vshll.u32 v0, $0x2  }
0x2e: {  	v6 =	vld [tilespmem:s29+$0xFFFFFFF0];
	v2 =	vshll.u32 v2, $0x2  }
0x2f: {  	v7 =	vld [tilespmem:s29+$0x0];
	v3 =	vshll.u32 v3, $0x2  }
0x30: {  	v9 =	vld [tilespmem:s29+$0xFFFFFFE0];
	v1 =	vshll.u32 v1, $0x2  }
0x31: {  	v8 =	vld [tilespmem:s29+$0x10];
	v4 =	vshll.u32 v4, $0x2  }
0x32: {  	v5 =	vshll.u32 v5, $0x2;
	v10 =	vld.idx.msk [tilespmem:v0+s17+$0x0], $0xffff  }
0x33: {  	v13 =	vshll.u32 v6, $0x2;
	v6 =	vld.idx.msk [tilespmem:v2+s17+$0x0], $0xffff  }
0x34: {  	v14 =	vshll.u32 v7, $0x2;
	v7 =	vld.idx.msk [tilespmem:v3+s17+$0x0], $0xffff  }
0x35: {  	v9 =	vshll.u32 v9, $0x2;
	v11 =	vld.idx.msk [tilespmem:v1+s17+$0x0], $0xffff  }
0x36: {  	v8 =	vshll.u32 v8, $0x2;
	v15 =	vld.idx.msk [tilespmem:v4+s17+$0x0], $0xffff  }
0x37: {  	v12 =	vor.u32 $0x1, v0;
	[tilespmem:v5+s19+$0x0] =	vst.idx.add.f32.msk $0xffff, v10  }
0x38: {  	v16 =	vor.u32 $0x1, v1;
	[tilespmem:v13+s19+$0x0] =	vst.idx.add.f32.msk $0xffff, v6  }
0x39: {  	v52 =	vor.u32 $0x1, v3;
	[tilespmem:v14+s19+$0x0] =	vst.idx.add.f32.msk $0xffff, v7  }
0x3a: {  	v53 =	vor.u32 $0x1, v4;
	[tilespmem:v9+s19+$0x0] =	vst.idx.add.f32.msk $0xffff, v11  }
0x3b: {  	v7 =	vor.u32 $0x1, v2;
	[tilespmem:v8+s19+$0x0] =	vst.idx.add.f32.msk $0xffff, v15  }
0x3c: {  	v51 =	vor.u32 $0x1, v5;
	v10 =	vld.idx.msk [tilespmem:v12+s17+$0x0], $0xffff  }
0x3d: {  	v6 =	vor.u32 $0x2, v0;
	v55 =	vld.idx.msk [tilespmem:v16+s17+$0x0], $0xffff  }
0x3e: {  	v18 =	vor.u32 $0x1, v14;
	v11 =	vld.idx.msk [tilespmem:v52+s17+$0x0], $0xffff  }
0x3f: {  	v19 =	vor.u32 $0x1, v8;
	v15 =	vld.idx.msk [tilespmem:v53+s17+$0x0], $0xffff  }
0x40: {  	v17 =	vor.u32 $0x1, v13;
	v7 =	vld.idx.msk [tilespmem:v7+s17+$0x0], $0xffff  }
0x41: {  	v58 =	vor.u32 $0x2, v4;
	[tilespmem:v51+s19+$0x0] =	vst.idx.add.f32.msk $0xffff, v10  }
0x42: {  	v54 =	vor.u32 $0x2, v5;
	v6 =	vld.idx.msk [tilespmem:v6+s17+$0x0], $0xffff  }
0x43: {  	v0 =	vor.u32 $0x3, v0;
	[tilespmem:v18+s19+$0x0] =	vst.idx.add.f32.msk $0xffff, v11  }
0x44: {  	v56 =	vor.u32 $0x1, v9;
	[tilespmem:v19+s19+$0x0] =	vst.idx.add.f32.msk $0xffff, v15  }
0x45: {  	[tilespmem:v17+s19+$0x0] =	vst.idx.add.f32.msk $0xffff, v7;
	v7 =	vor.u32 $0x2, v3  }
0x46: {  	v62 =	vor.u32 $0x2, v8;
	v11 =	vld.idx.msk [tilespmem:v58+s17+$0x0], $0xffff  }
0x47: {  	[tilespmem:v54+s19+$0x0] =	vst.idx.add.f32.msk $0xffff, v6;
	v6 =	vor.u32 $0x2, v1  }
0x48: {  	v5 =	vor.u32 $0x3, v5;
	v0 =	vld.idx.msk [tilespmem:v0+s17+$0x0], $0xffff  }
0x49: {  	v57 =	vor.u32 $0x2, v2;
	[tilespmem:v56+s19+$0x0] =	vst.idx.add.f32.msk $0xffff, v55  }
0x4a: {  	v60 =	vor.u32 $0x2, v14;
	v61 =	vld.idx.msk [tilespmem:v7+s17+$0x0], $0xffff  }
0x4b: {  	v3 =	vor.u32 $0x3, v3;
	[tilespmem:v62+s19+$0x0] =	vst.idx.add.f32.msk $0xffff, v11  }
0x4c: {  	v63 =	vor.u32 $0x3, v4;
	v6 =	vld.idx.msk [tilespmem:v6+s17+$0x0], $0xffff  }
0x4d: {  	v59 =	vor.u32 $0x2, v9;
	[tilespmem:v5+s19+$0x0] =	vst.idx.add.f32.msk $0xffff, v0  }
0x4e: {  	v1 =	vor.u32 $0x3, v1;
	v5 =	vld.idx.msk [tilespmem:v57+s17+$0x0], $0xffff  }
0x4f: {  	v0 =	vor.u32 $0x2, v13;
	[tilespmem:v60+s19+$0x0] =	vst.idx.add.f32.msk $0xffff, v61  }
0x50: {  	v2 =	vor.u32 $0x3, v2;
	v4 =	vld.idx.msk [tilespmem:v3+s17+$0x0], $0xffff  }
0x51: {  	v3 =	vld.idx.msk [tilespmem:v63+s17+$0x0], $0xffff  }
0x52: {  	[tilespmem:v59+s19+$0x0] =	vst.idx.add.f32.msk $0xffff, v6  }
0x53: {  	v7 =	vld.idx.msk [tilespmem:v1+s17+$0x0], $0xffff  }
0x54: {  	[tilespmem:v0+s19+$0x0] =	vst.idx.add.f32.msk $0xffff, v5;
	v0 =	vor.u32 $0x3, v13  }
0x55: {  	s31 =	simm.s32 $0x1070;
	s30 =	simm.s32 $0x0;
	v1 =	vor.u32 $0x3, v14;
	v5 =	vor.u32 $0x3, v9;
	v6 =	vld.idx.msk [tilespmem:v2+s17+$0x0], $0xffff;
	v2 =	vor.u32 $0x3, v8  }
.LBB2_2:
0x56: {  	v8 =	vld [tilespmem:s31+$0x20];
	s30 =	sadd.s32 $0x5, s30  }
0x57: {  	v9 =	vld [tilespmem:s31+$0xFFFFFFE0];
	p0 =	slt.u32 s30, $0xF5  }
0x58: {  	v10 =	vld [tilespmem:s31+$0xFFFFFFF0]  }
0x59: {  	v11 =	vld [tilespmem:s31+$0x0]  }
0x5a: {  	v12 =	vld [tilespmem:s31+$0x10]  }
0x5b: {  	s29 =	sadd.s32 $0x50, s29;
	v8 =	vshll.u32 v8, $0x2;
	[tilespmem:v5+s19+$0x0] =	vst.idx.add.f32.msk $0xffff, v7  }
0x5c: {  	v5 =	vshll.u32 v9, $0x2;
	v7 =	vld [tilespmem:s29+$0x20]  }
0x5d: {  	v9 =	vor.u32 $0x1, v5;
	v13 =	vor.u32 $0x2, v5;
	v14 =	vld [tilespmem:s29+$0xFFFFFFF0];
	v10 =	vshll.u32 v10, $0x2  }
0x5e: {  	v15 =	vor.u32 $0x1, v10;
	v16 =	vor.u32 $0x2, v10;
	v17 =	vld [tilespmem:s29+$0x0];
	v11 =	vshll.u32 v11, $0x2  }
0x5f: {  	v18 =	vor.u32 $0x1, v11;
	v19 =	vor.u32 $0x2, v11;
	v20 =	vld [tilespmem:s29+$0x10];
	v12 =	vshll.u32 v12, $0x2  }
0x60: {  	v21 =	vor.u32 $0x3, v5;
	v22 =	vor.u32 $0x1, v12;
	v23 =	vor.u32 $0x2, v12;
	v24 =	vld.idx.msk [tilespmem:v8+s17+$0x0], $0xffff  }
0x61: {  	v26 =	vor.u32 $0x3, v10;
	v27 =	vor.u32 $0x3, v11;
	v25 =	vld [tilespmem:s29+$0xFFFFFFE0];
	v7 =	vshll.u32 v7, $0x2  }
0x62: {  	v30 =	vor.u32 $0x1, v8;
	v29 =	vor.u32 $0x3, v12;
	v28 =	vld.idx.msk [tilespmem:v5+s17+$0x0], $0xffff;
	v14 =	vshll.u32 v14, $0x2  }
0x63: {  	v10 =	vld.idx.msk [tilespmem:v10+s17+$0x0], $0xffff;
	v31 =	vor.u32 $0x1, v14;
	v32 =	vor.u32 $0x2, v14;
	v17 =	vshll.u32 v17, $0x2  }
0x64: {  	v11 =	vld.idx.msk [tilespmem:v11+s17+$0x0], $0xffff;
	v33 =	vor.u32 $0x1, v17;
	v34 =	vor.u32 $0x2, v17;
	v20 =	vshll.u32 v20, $0x2  }
0x65: {  	v35 =	vor.u32 $0x3, v14;
	v12 =	vld.idx.msk [tilespmem:v12+s17+$0x0], $0xffff;
	v36 =	vor.u32 $0x1, v20;
	v37 =	vor.u32 $0x2, v20  }
0x66: {  	v38 =	vor.u32 $0x3, v17;
	v39 =	vor.u32 $0x3, v20;
	v25 =	vshll.u32 v25, $0x2;
	[tilespmem:v7+s19+$0x0] =	vst.idx.add.f32.msk $0xffff, v24  }
0x67: {  	v24 =	vor.u32 $0x1, v25;
	v40 =	vor.u32 $0x2, v25;
	v5 =	vor.u32 $0x3, v25;
	v30 =	vld.idx.msk [tilespmem:v30+s17+$0x0], $0xffff  }
0x68: {  	v41 =	vor.u32 $0x1, v7;
	[tilespmem:v0+s19+$0x0] =	vst.idx.add.f32.msk $0xffff, v6;
	v0 =	vmov v35  }
0x69: {  	v6 =	vor.u32 $0x2, v8;
	[tilespmem:v14+s19+$0x0] =	vst.idx.add.f32.msk $0xffff, v10  }
0x6a: {  	[tilespmem:v17+s19+$0x0] =	vst.idx.add.f32.msk $0xffff, v11  }
0x6b: {  	[tilespmem:v25+s19+$0x0] =	vst.idx.add.f32.msk $0xffff, v28  }
0x6c: {  	[tilespmem:v20+s19+$0x0] =	vst.idx.add.f32.msk $0xffff, v12  }
0x6d: {  	[tilespmem:v41+s19+$0x0] =	vst.idx.add.f32.msk $0xffff, v30  }
0x6e: {  	v6 =	vld.idx.msk [tilespmem:v6+s17+$0x0], $0xffff  }
0x6f: {  	v10 =	vor.u32 $0x2, v7;
	v9 =	vld.idx.msk [tilespmem:v9+s17+$0x0], $0xffff  }
0x70: {  	v8 =	vor.u32 $0x3, v8;
	v11 =	vld.idx.msk [tilespmem:v15+s17+$0x0], $0xffff  }
0x71: {  	v12 =	vld.idx.msk [tilespmem:v18+s17+$0x0], $0xffff  }
0x72: {  	v14 =	vld.idx.msk [tilespmem:v22+s17+$0x0], $0xffff  }
0x73: {  	[tilespmem:v1+s19+$0x0] =	vst.idx.add.f32.msk $0xffff, v4;
	v1 =	vmov v38  }
0x74: {  	[tilespmem:v10+s19+$0x0] =	vst.idx.add.f32.msk $0xffff, v6  }
0x75: {  	v4 =	vld.idx.msk [tilespmem:v8+s17+$0x0], $0xffff  }
0x76: {  	v6 =	vor.u32 $0x3, v7;
	[tilespmem:v24+s19+$0x0] =	vst.idx.add.f32.msk $0xffff, v9  }
0x77: {  	[tilespmem:v31+s19+$0x0] =	vst.idx.add.f32.msk $0xffff, v11  }
0x78: {  	[tilespmem:v33+s19+$0x0] =	vst.idx.add.f32.msk $0xffff, v12  }
0x79: {  	[tilespmem:v36+s19+$0x0] =	vst.idx.add.f32.msk $0xffff, v14  }
0x7a: {  	v7 =	vld.idx.msk [tilespmem:v13+s17+$0x0], $0xffff  }
0x7b: {  	[tilespmem:v6+s19+$0x0] =	vst.idx.add.f32.msk $0xffff, v4  }
0x7c: {  	v4 =	vld.idx.msk [tilespmem:v16+s17+$0x0], $0xffff  }
0x7d: {  	v6 =	vld.idx.msk [tilespmem:v19+s17+$0x0], $0xffff  }
0x7e: {  	v8 =	vld.idx.msk [tilespmem:v23+s17+$0x0], $0xffff  }
0x7f: {  	[tilespmem:v2+s19+$0x0] =	vst.idx.add.f32.msk $0xffff, v3;
	v2 =	vmov v39  }
0x80: {  	[tilespmem:v40+s19+$0x0] =	vst.idx.add.f32.msk $0xffff, v7  }
0x81: {  	v7 =	vld.idx.msk [tilespmem:v21+s17+$0x0], $0xffff  }
0x82: {  	[tilespmem:v32+s19+$0x0] =	vst.idx.add.f32.msk $0xffff, v4  }
.Ltmp0:
0x83: {  	[tilespmem:v34+s19+$0x0] =	vst.idx.add.f32.msk $0xffff, v6;
	(pc) =	sbr.rel @p0 .LBB2_2-.Ltmp0, $4  }
0x84: {  	[tilespmem:v37+s19+$0x0] =	vst.idx.add.f32.msk $0xffff, v8  }
0x85: {  	v6 =	vld.idx.msk [tilespmem:v26+s17+$0x0], $0xffff  }
0x86: {  	v4 =	vld.idx.msk [tilespmem:v27+s17+$0x0], $0xffff  }
0x87: {  	s31 =	sadd.s32 $0x50, s31;
	v3 =	vld.idx.msk [tilespmem:v29+s17+$0x0], $0xffff  }
0x88: {  	_ =	sdelay $0x3  }
0x89: {  	[tilespmem:v5+s19+$0x0] =	vst.idx.add.f32.msk $0xffff, v7  }
0x8a: {  	[tilespmem:v0+s19+$0x0] =	vst.idx.add.f32.msk $0xffff, v6  }
0x8b: {  	[tilespmem:v1+s19+$0x0] =	vst.idx.add.f32.msk $0xffff, v4  }
0x8c: {  	[tilespmem:v2+s19+$0x0] =	vst.idx.add.f32.msk $0xffff, v3  }
0x8d: {  	_ =	swait.ge [sflag:s24], $0xFA0  }
0x8e: {  	[sflag:s24] =	ssyncset.done $0x0  }
0x8f: {  	[sflag:s24] =	ssyncadd.s32 $0xFFFFF060  }
0x90: {  	_ =	swait.ge [sflag:s24], $0xFA0  }
0x91: {  	[sflag:s24] =	ssyncset.done $0x0  }
0x92: {  	[sflag:s24] =	ssyncadd.s32 $0xFFFFF060  }
0x93: {  	[tilespmem:s2], [sflag:$0x1] =	stream.linear.gather [hbm4b:s8+s2], $0xFA0, $0x38;
	[tilespmem:$0x17900] =	vst v63  }
0x94: {  	s30 =	simm.s32 $0x3020  }
0x95: {  	[tilespmem:s20], [sflag:$0x1] =	stream.linear.gather [hbm4b:s9+s2], $0xFA0, $0x38;
	[tilespmem:$0x17900] =	vst v63  }
0x96: {  	v0 =	vld [tilespmem:s30+$0x20]  }
0x97: {  	v2 =	vld [tilespmem:s30+$0xFFFFFFF0]  }
0x98: {  	v3 =	vld [tilespmem:s30+$0x0]  }
0x99: {  	v1 =	vld [tilespmem:s30+$0xFFFFFFE0]  }
0x9a: {  	s29 =	simm.s32 $0x2020;
	v4 =	vld [tilespmem:s30+$0x10]  }
0x9b: {  	v5 =	vld [tilespmem:s29+$0x20];
	v0 =	vshll.u32 v0, $0x2  }
0x9c: {  	v6 =	vld [tilespmem:s29+$0xFFFFFFF0];
	v2 =	vshll.u32 v2, $0x2  }
0x9d: {  	v7 =	vld [tilespmem:s29+$0x0];
	v3 =	vshll.u32 v3, $0x2  }
0x9e: {  	v9 =	vld [tilespmem:s29+$0xFFFFFFE0];
	v1 =	vshll.u32 v1, $0x2  }
0x9f: {  	v8 =	vld [tilespmem:s29+$0x10];
	v4 =	vshll.u32 v4, $0x2  }
0xa0: {  	v5 =	vshll.u32 v5, $0x2;
	v10 =	vld.idx.msk [tilespmem:v0+s17+$0x0], $0xffff  }
0xa1: {  	v13 =	vshll.u32 v6, $0x2;
	v6 =	vld.idx.msk [tilespmem:v2+s17+$0x0], $0xffff  }
0xa2: {  	v14 =	vshll.u32 v7, $0x2;
	v7 =	vld.idx.msk [tilespmem:v3+s17+$0x0], $0xffff  }
0xa3: {  	v9 =	vshll.u32 v9, $0x2;
	v11 =	vld.idx.msk [tilespmem:v1+s17+$0x0], $0xffff  }
0xa4: {  	v8 =	vshll.u32 v8, $0x2;
	v15 =	vld.idx.msk [tilespmem:v4+s17+$0x0], $0xffff  }
0xa5: {  	v12 =	vor.u32 $0x1, v0;
	[tilespmem:v5+s19+$0x0] =	vst.idx.add.f32.msk $0xffff, v10  }
0xa6: {  	v16 =	vor.u32 $0x1, v1;
	[tilespmem:v13+s19+$0x0] =	vst.idx.add.f32.msk $0xffff, v6  }
0xa7: {  	v52 =	vor.u32 $0x1, v3;
	[tilespmem:v14+s19+$0x0] =	vst.idx.add.f32.msk $0xffff, v7  }
0xa8: {  	v53 =	vor.u32 $0x1, v4;
	[tilespmem:v9+s19+$0x0] =	vst.idx.add.f32.msk $0xffff, v11  }
0xa9: {  	v7 =	vor.u32 $0x1, v2;
	[tilespmem:v8+s19+$0x0] =	vst.idx.add.f32.msk $0xffff, v15  }
0xaa: {  	v51 =	vor.u32 $0x1, v5;
	v10 =	vld.idx.msk [tilespmem:v12+s17+$0x0], $0xffff  }
0xab: {  	v6 =	vor.u32 $0x2, v0;
	v55 =	vld.idx.msk [tilespmem:v16+s17+$0x0], $0xffff  }
0xac: {  	v18 =	vor.u32 $0x1, v14;
	v11 =	vld.idx.msk [tilespmem:v52+s17+$0x0], $0xffff  }
0xad: {  	v19 =	vor.u32 $0x1, v8;
	v15 =	vld.idx.msk [tilespmem:v53+s17+$0x0], $0xffff  }
0xae: {  	v17 =	vor.u32 $0x1, v13;
	v7 =	vld.idx.msk [tilespmem:v7+s17+$0x0], $0xffff  }
0xaf: {  	v58 =	vor.u32 $0x2, v4;
	[tilespmem:v51+s19+$0x0] =	vst.idx.add.f32.msk $0xffff, v10  }
0xb0: {  	v54 =	vor.u32 $0x2, v5;
	v6 =	vld.idx.msk [tilespmem:v6+s17+$0x0], $0xffff  }
0xb1: {  	v0 =	vor.u32 $0x3, v0;
	[tilespmem:v18+s19+$0x0] =	vst.idx.add.f32.msk $0xffff, v11  }
0xb2: {  	v56 =	vor.u32 $0x1, v9;
	[tilespmem:v19+s19+$0x0] =	vst.idx.add.f32.msk $0xffff, v15  }
0xb3: {  	[tilespmem:v17+s19+$0x0] =	vst.idx.add.f32.msk $0xffff, v7;
	v7 =	vor.u32 $0x2, v3  }
0xb4: {  	v62 =	vor.u32 $0x2, v8;
	v11 =	vld.idx.msk [tilespmem:v58+s17+$0x0], $0xffff  }
0xb5: {  	[tilespmem:v54+s19+$0x0] =	vst.idx.add.f32.msk $0xffff, v6;
	v6 =	vor.u32 $0x2, v1  }
0xb6: {  	v5 =	vor.u32 $0x3, v5;
	v0 =	vld.idx.msk [tilespmem:v0+s17+$0x0], $0xffff  }
0xb7: {  	v57 =	vor.u32 $0x2, v2;
	[tilespmem:v56+s19+$0x0] =	vst.idx.add.f32.msk $0xffff, v55  }
0xb8: {  	v60 =	vor.u32 $0x2, v14;
	v61 =	vld.idx.msk [tilespmem:v7+s17+$0x0], $0xffff  }
0xb9: {  	v3 =	vor.u32 $0x3, v3;
	[tilespmem:v62+s19+$0x0] =	vst.idx.add.f32.msk $0xffff, v11  }
0xba: {  	v63 =	vor.u32 $0x3, v4;
	v6 =	vld.idx.msk [tilespmem:v6+s17+$0x0], $0xffff  }
0xbb: {  	v59 =	vor.u32 $0x2, v9;
	[tilespmem:v5+s19+$0x0] =	vst.idx.add.f32.msk $0xffff, v0  }
0xbc: {  	v1 =	vor.u32 $0x3, v1;
	v5 =	vld.idx.msk [tilespmem:v57+s17+$0x0], $0xffff  }
0xbd: {  	v0 =	vor.u32 $0x2, v13;
	[tilespmem:v60+s19+$0x0] =	vst.idx.add.f32.msk $0xffff, v61  }
0xbe: {  	v2 =	vor.u32 $0x3, v2;
	v4 =	vld.idx.msk [tilespmem:v3+s17+$0x0], $0xffff  }
0xbf: {  	v3 =	vld.idx.msk [tilespmem:v63+s17+$0x0], $0xffff  }
0xc0: {  	[tilespmem:v59+s19+$0x0] =	vst.idx.add.f32.msk $0xffff, v6  }
0xc1: {  	v7 =	vld.idx.msk [tilespmem:v1+s17+$0x0], $0xffff  }
0xc2: {  	[tilespmem:v0+s19+$0x0] =	vst.idx.add.f32.msk $0xffff, v5;
	v0 =	vor.u32 $0x3, v13  }
0xc3: {  	s31 =	simm.s32 $0x3070;
	s30 =	simm.s32 $0x0;
	v1 =	vor.u32 $0x3, v14;
	v5 =	vor.u32 $0x3, v9;
	v6 =	vld.idx.msk [tilespmem:v2+s17+$0x0], $0xffff;
	v2 =	vor.u32 $0x3, v8  }
.LBB2_4:
0xc4: {  	v8 =	vld [tilespmem:s31+$0x20];
	s30 =	sadd.s32 $0x5, s30  }
0xc5: {  	v9 =	vld [tilespmem:s31+$0xFFFFFFE0];
	p0 =	slt.u32 s30, $0xF5  }
0xc6: {  	v10 =	vld [tilespmem:s31+$0xFFFFFFF0]  }
0xc7: {  	v11 =	vld [tilespmem:s31+$0x0]  }
0xc8: {  	v12 =	vld [tilespmem:s31+$0x10]  }
0xc9: {  	s29 =	sadd.s32 $0x50, s29;
	v8 =	vshll.u32 v8, $0x2;
	[tilespmem:v5+s19+$0x0] =	vst.idx.add.f32.msk $0xffff, v7  }
0xca: {  	v5 =	vshll.u32 v9, $0x2;
	v7 =	vld [tilespmem:s29+$0x20]  }
0xcb: {  	v9 =	vor.u32 $0x1, v5;
	v13 =	vor.u32 $0x2, v5;
	v14 =	vld [tilespmem:s29+$0xFFFFFFF0];
	v10 =	vshll.u32 v10, $0x2  }
0xcc: {  	v15 =	vor.u32 $0x1, v10;
	v16 =	vor.u32 $0x2, v10;
	v17 =	vld [tilespmem:s29+$0x0];
	v11 =	vshll.u32 v11, $0x2  }
0xcd: {  	v18 =	vor.u32 $0x1, v11;
	v19 =	vor.u32 $0x2, v11;
	v20 =	vld [tilespmem:s29+$0x10];
	v12 =	vshll.u32 v12, $0x2  }
0xce: {  	v21 =	vor.u32 $0x3, v5;
	v22 =	vor.u32 $0x1, v12;
	v23 =	vor.u32 $0x2, v12;
	v24 =	vld.idx.msk [tilespmem:v8+s17+$0x0], $0xffff  }
0xcf: {  	v26 =	vor.u32 $0x3, v10;
	v27 =	vor.u32 $0x3, v11;
	v25 =	vld [tilespmem:s29+$0xFFFFFFE0];
	v7 =	vshll.u32 v7, $0x2  }
0xd0: {  	v30 =	vor.u32 $0x1, v8;
	v29 =	vor.u32 $0x3, v12;
	v28 =	vld.idx.msk [tilespmem:v5+s17+$0x0], $0xffff;
	v14 =	vshll.u32 v14, $0x2  }
0xd1: {  	v10 =	vld.idx.msk [tilespmem:v10+s17+$0x0], $0xffff;
	v31 =	vor.u32 $0x1, v14;
	v32 =	vor.u32 $0x2, v14;
	v17 =	vshll.u32 v17, $0x2  }
0xd2: {  	v11 =	vld.idx.msk [tilespmem:v11+s17+$0x0], $0xffff;
	v33 =	vor.u32 $0x1, v17;
	v34 =	vor.u32 $0x2, v17;
	v20 =	vshll.u32 v20, $0x2  }
0xd3: {  	v35 =	vor.u32 $0x3, v14;
	v12 =	vld.idx.msk [tilespmem:v12+s17+$0x0], $0xffff;
	v36 =	vor.u32 $0x1, v20;
	v37 =	vor.u32 $0x2, v20  }
0xd4: {  	v38 =	vor.u32 $0x3, v17;
	v39 =	vor.u32 $0x3, v20;
	v25 =	vshll.u32 v25, $0x2;
	[tilespmem:v7+s19+$0x0] =	vst.idx.add.f32.msk $0xffff, v24  }
0xd5: {  	v24 =	vor.u32 $0x1, v25;
	v40 =	vor.u32 $0x2, v25;
	v5 =	vor.u32 $0x3, v25;
	v30 =	vld.idx.msk [tilespmem:v30+s17+$0x0], $0xffff  }
0xd6: {  	v41 =	vor.u32 $0x1, v7;
	[tilespmem:v0+s19+$0x0] =	vst.idx.add.f32.msk $0xffff, v6;
	v0 =	vmov v35  }
0xd7: {  	v6 =	vor.u32 $0x2, v8;
	[tilespmem:v14+s19+$0x0] =	vst.idx.add.f32.msk $0xffff, v10  }
0xd8: {  	[tilespmem:v17+s19+$0x0] =	vst.idx.add.f32.msk $0xffff, v11  }
0xd9: {  	[tilespmem:v25+s19+$0x0] =	vst.idx.add.f32.msk $0xffff, v28  }
0xda: {  	[tilespmem:v20+s19+$0x0] =	vst.idx.add.f32.msk $0xffff, v12  }
0xdb: {  	[tilespmem:v41+s19+$0x0] =	vst.idx.add.f32.msk $0xffff, v30  }
0xdc: {  	v6 =	vld.idx.msk [tilespmem:v6+s17+$0x0], $0xffff  }
0xdd: {  	v10 =	vor.u32 $0x2, v7;
	v9 =	vld.idx.msk [tilespmem:v9+s17+$0x0], $0xffff  }
0xde: {  	v8 =	vor.u32 $0x3, v8;
	v11 =	vld.idx.msk [tilespmem:v15+s17+$0x0], $0xffff  }
0xdf: {  	v12 =	vld.idx.msk [tilespmem:v18+s17+$0x0], $0xffff  }
0xe0: {  	v14 =	vld.idx.msk [tilespmem:v22+s17+$0x0], $0xffff  }
0xe1: {  	[tilespmem:v1+s19+$0x0] =	vst.idx.add.f32.msk $0xffff, v4;
	v1 =	vmov v38  }
0xe2: {  	[tilespmem:v10+s19+$0x0] =	vst.idx.add.f32.msk $0xffff, v6  }
0xe3: {  	v4 =	vld.idx.msk [tilespmem:v8+s17+$0x0], $0xffff  }
0xe4: {  	v6 =	vor.u32 $0x3, v7;
	[tilespmem:v24+s19+$0x0] =	vst.idx.add.f32.msk $0xffff, v9  }
0xe5: {  	[tilespmem:v31+s19+$0x0] =	vst.idx.add.f32.msk $0xffff, v11  }
0xe6: {  	[tilespmem:v33+s19+$0x0] =	vst.idx.add.f32.msk $0xffff, v12  }
0xe7: {  	[tilespmem:v36+s19+$0x0] =	vst.idx.add.f32.msk $0xffff, v14  }
0xe8: {  	v7 =	vld.idx.msk [tilespmem:v13+s17+$0x0], $0xffff  }
0xe9: {  	[tilespmem:v6+s19+$0x0] =	vst.idx.add.f32.msk $0xffff, v4  }
0xea: {  	v4 =	vld.idx.msk [tilespmem:v16+s17+$0x0], $0xffff  }
0xeb: {  	v6 =	vld.idx.msk [tilespmem:v19+s17+$0x0], $0xffff  }
0xec: {  	v8 =	vld.idx.msk [tilespmem:v23+s17+$0x0], $0xffff  }
0xed: {  	[tilespmem:v2+s19+$0x0] =	vst.idx.add.f32.msk $0xffff, v3;
	v2 =	vmov v39  }
0xee: {  	[tilespmem:v40+s19+$0x0] =	vst.idx.add.f32.msk $0xffff, v7  }
0xef: {  	v7 =	vld.idx.msk [tilespmem:v21+s17+$0x0], $0xffff  }
0xf0: {  	[tilespmem:v32+s19+$0x0] =	vst.idx.add.f32.msk $0xffff, v4  }
.Ltmp1:
0xf1: {  	[tilespmem:v34+s19+$0x0] =	vst.idx.add.f32.msk $0xffff, v6;
	(pc) =	sbr.rel @p0 .LBB2_4-.Ltmp1, $4  }
0xf2: {  	[tilespmem:v37+s19+$0x0] =	vst.idx.add.f32.msk $0xffff, v8  }
0xf3: {  	v6 =	vld.idx.msk [tilespmem:v26+s17+$0x0], $0xffff  }
0xf4: {  	v4 =	vld.idx.msk [tilespmem:v27+s17+$0x0], $0xffff  }
0xf5: {  	s31 =	sadd.s32 $0x50, s31;
	v3 =	vld.idx.msk [tilespmem:v29+s17+$0x0], $0xffff  }
0xf6: {  	_ =	sdelay $0x3  }
0xf7: {  	[tilespmem:v5+s19+$0x0] =	vst.idx.add.f32.msk $0xffff, v7  }
0xf8: {  	[tilespmem:v0+s19+$0x0] =	vst.idx.add.f32.msk $0xffff, v6  }
0xf9: {  	[tilespmem:v1+s19+$0x0] =	vst.idx.add.f32.msk $0xffff, v4  }
0xfa: {  	[tilespmem:v2+s19+$0x0] =	vst.idx.add.f32.msk $0xffff, v3  }
0xfb: {  	_ =	swait.ge [sflag:s21], $0xFA0  }
0xfc: {  	[sflag:s21] =	ssyncset.done $0x0  }
0xfd: {  	[sflag:s21] =	ssyncadd.s32 $0xFFFFF060  }
0xfe: {  	_ =	swait.ge [sflag:s21], $0xFA0  }
0xff: {  	[sflag:s21] =	ssyncset.done $0x0  }
0x100: {  	[sflag:s21] =	ssyncadd.s32 $0xFFFFF060  }
0x101: {  	[tilespmem:s22], [sflag:$0x2] =	stream.linear.gather [hbm4b:s10+s2], $0xFA0, $0x38;
	[tilespmem:$0x17900] =	vst v63  }
0x102: {  	s30 =	simm.s32 $0x1020  }
0x103: {  	[tilespmem:s23], [sflag:$0x2] =	stream.linear.gather [hbm4b:s11+s2], $0xFA0, $0x38;
	[tilespmem:$0x17900] =	vst v63  }
0x104: {  	v0 =	vld [tilespmem:s30+$0x20]  }
0x105: {  	v2 =	vld [tilespmem:s30+$0xFFFFFFF0]  }
0x106: {  	v3 =	vld [tilespmem:s30+$0x0]  }
0x107: {  	v1 =	vld [tilespmem:s30+$0xFFFFFFE0]  }
0x108: {  	s29 =	simm.s32 $0x20;
	v4 =	vld [tilespmem:s30+$0x10]  }
0x109: {  	v5 =	vld [tilespmem:s29+$0x20];
	v0 =	vshll.u32 v0, $0x2  }
0x10a: {  	v6 =	vld [tilespmem:s29+$0xFFFFFFF0];
	v2 =	vshll.u32 v2, $0x2  }
0x10b: {  	v7 =	vld [tilespmem:s29+$0x0];
	v3 =	vshll.u32 v3, $0x2  }
0x10c: {  	v9 =	vld [tilespmem:s29+$0xFFFFFFE0];
	v1 =	vshll.u32 v1, $0x2  }
0x10d: {  	v8 =	vld [tilespmem:s29+$0x10];
	v4 =	vshll.u32 v4, $0x2  }
0x10e: {  	v5 =	vshll.u32 v5, $0x2;
	v10 =	vld.idx.msk [tilespmem:v0+s17+$0x0], $0xffff  }
0x10f: {  	v13 =	vshll.u32 v6, $0x2;
	v6 =	vld.idx.msk [tilespmem:v2+s17+$0x0], $0xffff  }
0x110: {  	v14 =	vshll.u32 v7, $0x2;
	v7 =	vld.idx.msk [tilespmem:v3+s17+$0x0], $0xffff  }
0x111: {  	v9 =	vshll.u32 v9, $0x2;
	v11 =	vld.idx.msk [tilespmem:v1+s17+$0x0], $0xffff  }
0x112: {  	v8 =	vshll.u32 v8, $0x2;
	v15 =	vld.idx.msk [tilespmem:v4+s17+$0x0], $0xffff  }
0x113: {  	v12 =	vor.u32 $0x1, v0;
	[tilespmem:v5+s19+$0x0] =	vst.idx.add.f32.msk $0xffff, v10  }
0x114: {  	v16 =	vor.u32 $0x1, v1;
	[tilespmem:v13+s19+$0x0] =	vst.idx.add.f32.msk $0xffff, v6  }
0x115: {  	v52 =	vor.u32 $0x1, v3;
	[tilespmem:v14+s19+$0x0] =	vst.idx.add.f32.msk $0xffff, v7  }
0x116: {  	v53 =	vor.u32 $0x1, v4;
	[tilespmem:v9+s19+$0x0] =	vst.idx.add.f32.msk $0xffff, v11  }
0x117: {  	v7 =	vor.u32 $0x1, v2;
	[tilespmem:v8+s19+$0x0] =	vst.idx.add.f32.msk $0xffff, v15  }
0x118: {  	v51 =	vor.u32 $0x1, v5;
	v10 =	vld.idx.msk [tilespmem:v12+s17+$0x0], $0xffff  }
0x119: {  	v6 =	vor.u32 $0x2, v0;
	v55 =	vld.idx.msk [tilespmem:v16+s17+$0x0], $0xffff  }
0x11a: {  	v18 =	vor.u32 $0x1, v14;
	v11 =	vld.idx.msk [tilespmem:v52+s17+$0x0], $0xffff  }
0x11b: {  	v19 =	vor.u32 $0x1, v8;
	v15 =	vld.idx.msk [tilespmem:v53+s17+$0x0], $0xffff  }
0x11c: {  	v17 =	vor.u32 $0x1, v13;
	v7 =	vld.idx.msk [tilespmem:v7+s17+$0x0], $0xffff  }
0x11d: {  	v58 =	vor.u32 $0x2, v4;
	[tilespmem:v51+s19+$0x0] =	vst.idx.add.f32.msk $0xffff, v10  }
0x11e: {  	v54 =	vor.u32 $0x2, v5;
	v6 =	vld.idx.msk [tilespmem:v6+s17+$0x0], $0xffff  }
0x11f: {  	v0 =	vor.u32 $0x3, v0;
	[tilespmem:v18+s19+$0x0] =	vst.idx.add.f32.msk $0xffff, v11  }
0x120: {  	v56 =	vor.u32 $0x1, v9;
	[tilespmem:v19+s19+$0x0] =	vst.idx.add.f32.msk $0xffff, v15  }
0x121: {  	[tilespmem:v17+s19+$0x0] =	vst.idx.add.f32.msk $0xffff, v7;
	v7 =	vor.u32 $0x2, v3  }
0x122: {  	v62 =	vor.u32 $0x2, v8;
	v11 =	vld.idx.msk [tilespmem:v58+s17+$0x0], $0xffff  }
0x123: {  	[tilespmem:v54+s19+$0x0] =	vst.idx.add.f32.msk $0xffff, v6;
	v6 =	vor.u32 $0x2, v1  }
0x124: {  	v5 =	vor.u32 $0x3, v5;
	v0 =	vld.idx.msk [tilespmem:v0+s17+$0x0], $0xffff  }
0x125: {  	v57 =	vor.u32 $0x2, v2;
	[tilespmem:v56+s19+$0x0] =	vst.idx.add.f32.msk $0xffff, v55  }
0x126: {  	v60 =	vor.u32 $0x2, v14;
	v61 =	vld.idx.msk [tilespmem:v7+s17+$0x0], $0xffff  }
0x127: {  	v3 =	vor.u32 $0x3, v3;
	[tilespmem:v62+s19+$0x0] =	vst.idx.add.f32.msk $0xffff, v11  }
0x128: {  	v63 =	vor.u32 $0x3, v4;
	v6 =	vld.idx.msk [tilespmem:v6+s17+$0x0], $0xffff  }
0x129: {  	v59 =	vor.u32 $0x2, v9;
	[tilespmem:v5+s19+$0x0] =	vst.idx.add.f32.msk $0xffff, v0  }
0x12a: {  	v1 =	vor.u32 $0x3, v1;
	v5 =	vld.idx.msk [tilespmem:v57+s17+$0x0], $0xffff  }
0x12b: {  	v0 =	vor.u32 $0x2, v13;
	[tilespmem:v60+s19+$0x0] =	vst.idx.add.f32.msk $0xffff, v61  }
0x12c: {  	v2 =	vor.u32 $0x3, v2;
	v4 =	vld.idx.msk [tilespmem:v3+s17+$0x0], $0xffff  }
0x12d: {  	v3 =	vld.idx.msk [tilespmem:v63+s17+$0x0], $0xffff  }
0x12e: {  	[tilespmem:v59+s19+$0x0] =	vst.idx.add.f32.msk $0xffff, v6  }
0x12f: {  	v7 =	vld.idx.msk [tilespmem:v1+s17+$0x0], $0xffff  }
0x130: {  	[tilespmem:v0+s19+$0x0] =	vst.idx.add.f32.msk $0xffff, v5;
	v0 =	vor.u32 $0x3, v13  }
0x131: {  	s31 =	simm.s32 $0x1070;
	s30 =	simm.s32 $0x0;
	v1 =	vor.u32 $0x3, v14;
	v5 =	vor.u32 $0x3, v9;
	v6 =	vld.idx.msk [tilespmem:v2+s17+$0x0], $0xffff;
	v2 =	vor.u32 $0x3, v8  }
.LBB2_6:
0x132: {  	v8 =	vld [tilespmem:s31+$0x20];
	s30 =	sadd.s32 $0x5, s30  }
0x133: {  	v9 =	vld [tilespmem:s31+$0xFFFFFFE0];
	p0 =	slt.u32 s30, $0xF5  }
0x134: {  	v10 =	vld [tilespmem:s31+$0xFFFFFFF0]  }
0x135: {  	v11 =	vld [tilespmem:s31+$0x0]  }
0x136: {  	v12 =	vld [tilespmem:s31+$0x10]  }
0x137: {  	s29 =	sadd.s32 $0x50, s29;
	v8 =	vshll.u32 v8, $0x2;
	[tilespmem:v5+s19+$0x0] =	vst.idx.add.f32.msk $0xffff, v7  }
0x138: {  	v5 =	vshll.u32 v9, $0x2;
	v7 =	vld [tilespmem:s29+$0x20]  }
0x139: {  	v9 =	vor.u32 $0x1, v5;
	v13 =	vor.u32 $0x2, v5;
	v14 =	vld [tilespmem:s29+$0xFFFFFFF0];
	v10 =	vshll.u32 v10, $0x2  }
0x13a: {  	v15 =	vor.u32 $0x1, v10;
	v16 =	vor.u32 $0x2, v10;
	v17 =	vld [tilespmem:s29+$0x0];
	v11 =	vshll.u32 v11, $0x2  }
0x13b: {  	v18 =	vor.u32 $0x1, v11;
	v19 =	vor.u32 $0x2, v11;
	v20 =	vld [tilespmem:s29+$0x10];
	v12 =	vshll.u32 v12, $0x2  }
0x13c: {  	v21 =	vor.u32 $0x3, v5;
	v22 =	vor.u32 $0x1, v12;
	v23 =	vor.u32 $0x2, v12;
	v24 =	vld.idx.msk [tilespmem:v8+s17+$0x0], $0xffff  }
0x13d: {  	v26 =	vor.u32 $0x3, v10;
	v27 =	vor.u32 $0x3, v11;
	v25 =	vld [tilespmem:s29+$0xFFFFFFE0];
	v7 =	vshll.u32 v7, $0x2  }
0x13e: {  	v30 =	vor.u32 $0x1, v8;
	v29 =	vor.u32 $0x3, v12;
	v28 =	vld.idx.msk [tilespmem:v5+s17+$0x0], $0xffff;
	v14 =	vshll.u32 v14, $0x2  }
0x13f: {  	v10 =	vld.idx.msk [tilespmem:v10+s17+$0x0], $0xffff;
	v31 =	vor.u32 $0x1, v14;
	v32 =	vor.u32 $0x2, v14;
	v17 =	vshll.u32 v17, $0x2  }
0x140: {  	v11 =	vld.idx.msk [tilespmem:v11+s17+$0x0], $0xffff;
	v33 =	vor.u32 $0x1, v17;
	v34 =	vor.u32 $0x2, v17;
	v20 =	vshll.u32 v20, $0x2  }
0x141: {  	v35 =	vor.u32 $0x3, v14;
	v12 =	vld.idx.msk [tilespmem:v12+s17+$0x0], $0xffff;
	v36 =	vor.u32 $0x1, v20;
	v37 =	vor.u32 $0x2, v20  }
0x142: {  	v38 =	vor.u32 $0x3, v17;
	v39 =	vor.u32 $0x3, v20;
	v25 =	vshll.u32 v25, $0x2;
	[tilespmem:v7+s19+$0x0] =	vst.idx.add.f32.msk $0xffff, v24  }
0x143: {  	v24 =	vor.u32 $0x1, v25;
	v40 =	vor.u32 $0x2, v25;
	v5 =	vor.u32 $0x3, v25;
	v30 =	vld.idx.msk [tilespmem:v30+s17+$0x0], $0xffff  }
0x144: {  	v41 =	vor.u32 $0x1, v7;
	[tilespmem:v0+s19+$0x0] =	vst.idx.add.f32.msk $0xffff, v6;
	v0 =	vmov v35  }
0x145: {  	v6 =	vor.u32 $0x2, v8;
	[tilespmem:v14+s19+$0x0] =	vst.idx.add.f32.msk $0xffff, v10  }
0x146: {  	[tilespmem:v17+s19+$0x0] =	vst.idx.add.f32.msk $0xffff, v11  }
0x147: {  	[tilespmem:v25+s19+$0x0] =	vst.idx.add.f32.msk $0xffff, v28  }
0x148: {  	[tilespmem:v20+s19+$0x0] =	vst.idx.add.f32.msk $0xffff, v12  }
0x149: {  	[tilespmem:v41+s19+$0x0] =	vst.idx.add.f32.msk $0xffff, v30  }
0x14a: {  	v6 =	vld.idx.msk [tilespmem:v6+s17+$0x0], $0xffff  }
0x14b: {  	v10 =	vor.u32 $0x2, v7;
	v9 =	vld.idx.msk [tilespmem:v9+s17+$0x0], $0xffff  }
0x14c: {  	v8 =	vor.u32 $0x3, v8;
	v11 =	vld.idx.msk [tilespmem:v15+s17+$0x0], $0xffff  }
0x14d: {  	v12 =	vld.idx.msk [tilespmem:v18+s17+$0x0], $0xffff  }
0x14e: {  	v14 =	vld.idx.msk [tilespmem:v22+s17+$0x0], $0xffff  }
0x14f: {  	[tilespmem:v1+s19+$0x0] =	vst.idx.add.f32.msk $0xffff, v4;
	v1 =	vmov v38  }
0x150: {  	[tilespmem:v10+s19+$0x0] =	vst.idx.add.f32.msk $0xffff, v6  }
0x151: {  	v4 =	vld.idx.msk [tilespmem:v8+s17+$0x0], $0xffff  }
0x152: {  	v6 =	vor.u32 $0x3, v7;
	[tilespmem:v24+s19+$0x0] =	vst.idx.add.f32.msk $0xffff, v9  }
0x153: {  	[tilespmem:v31+s19+$0x0] =	vst.idx.add.f32.msk $0xffff, v11  }
0x154: {  	[tilespmem:v33+s19+$0x0] =	vst.idx.add.f32.msk $0xffff, v12  }
0x155: {  	[tilespmem:v36+s19+$0x0] =	vst.idx.add.f32.msk $0xffff, v14  }
0x156: {  	v7 =	vld.idx.msk [tilespmem:v13+s17+$0x0], $0xffff  }
0x157: {  	[tilespmem:v6+s19+$0x0] =	vst.idx.add.f32.msk $0xffff, v4  }
0x158: {  	v4 =	vld.idx.msk [tilespmem:v16+s17+$0x0], $0xffff  }
0x159: {  	v6 =	vld.idx.msk [tilespmem:v19+s17+$0x0], $0xffff  }
0x15a: {  	v8 =	vld.idx.msk [tilespmem:v23+s17+$0x0], $0xffff  }
0x15b: {  	[tilespmem:v2+s19+$0x0] =	vst.idx.add.f32.msk $0xffff, v3;
	v2 =	vmov v39  }
0x15c: {  	[tilespmem:v40+s19+$0x0] =	vst.idx.add.f32.msk $0xffff, v7  }
0x15d: {  	v7 =	vld.idx.msk [tilespmem:v21+s17+$0x0], $0xffff  }
0x15e: {  	[tilespmem:v32+s19+$0x0] =	vst.idx.add.f32.msk $0xffff, v4  }
.Ltmp2:
0x15f: {  	[tilespmem:v34+s19+$0x0] =	vst.idx.add.f32.msk $0xffff, v6;
	(pc) =	sbr.rel @p0 .LBB2_6-.Ltmp2, $4  }
0x160: {  	[tilespmem:v37+s19+$0x0] =	vst.idx.add.f32.msk $0xffff, v8  }
0x161: {  	v6 =	vld.idx.msk [tilespmem:v26+s17+$0x0], $0xffff  }
0x162: {  	v4 =	vld.idx.msk [tilespmem:v27+s17+$0x0], $0xffff  }
0x163: {  	s31 =	sadd.s32 $0x50, s31;
	v3 =	vld.idx.msk [tilespmem:v29+s17+$0x0], $0xffff  }
0x164: {  	_ =	sdelay $0x3  }
0x165: {  	[tilespmem:v5+s19+$0x0] =	vst.idx.add.f32.msk $0xffff, v7  }
0x166: {  	[tilespmem:v0+s19+$0x0] =	vst.idx.add.f32.msk $0xffff, v6  }
0x167: {  	[tilespmem:v1+s19+$0x0] =	vst.idx.add.f32.msk $0xffff, v4  }
0x168: {  	[tilespmem:v2+s19+$0x0] =	vst.idx.add.f32.msk $0xffff, v3  }
0x169: {  	_ =	swait.ge [sflag:s24], $0xFA0  }
0x16a: {  	[sflag:s24] =	ssyncset.done $0x0  }
0x16b: {  	[sflag:s24] =	ssyncadd.s32 $0xFFFFF060  }
0x16c: {  	_ =	swait.ge [sflag:s24], $0xFA0  }
0x16d: {  	[sflag:s24] =	ssyncset.done $0x0  }
0x16e: {  	[sflag:s24] =	ssyncadd.s32 $0xFFFFF060  }
0x16f: {  	[tilespmem:s2], [sflag:$0x1] =	stream.linear.gather [hbm4b:s12+s2], $0xFA0, $0x38;
	[tilespmem:$0x17900] =	vst v63  }
0x170: {  	s30 =	simm.s32 $0x3020  }
0x171: {  	[tilespmem:s20], [sflag:$0x1] =	stream.linear.gather [hbm4b:s13+s2], $0xFA0, $0x38;
	[tilespmem:$0x17900] =	vst v63  }
0x172: {  	v0 =	vld [tilespmem:s30+$0x20]  }
0x173: {  	v2 =	vld [tilespmem:s30+$0xFFFFFFF0]  }
0x174: {  	v3 =	vld [tilespmem:s30+$0x0]  }
0x175: {  	v1 =	vld [tilespmem:s30+$0xFFFFFFE0]  }
0x176: {  	s29 =	simm.s32 $0x2020;
	v4 =	vld [tilespmem:s30+$0x10]  }
0x177: {  	v5 =	vld [tilespmem:s29+$0x20];
	v0 =	vshll.u32 v0, $0x2  }
0x178: {  	v6 =	vld [tilespmem:s29+$0xFFFFFFF0];
	v2 =	vshll.u32 v2, $0x2  }
0x179: {  	v7 =	vld [tilespmem:s29+$0x0];
	v3 =	vshll.u32 v3, $0x2  }
0x17a: {  	v9 =	vld [tilespmem:s29+$0xFFFFFFE0];
	v1 =	vshll.u32 v1, $0x2  }
0x17b: {  	v8 =	vld [tilespmem:s29+$0x10];
	v4 =	vshll.u32 v4, $0x2  }
0x17c: {  	v5 =	vshll.u32 v5, $0x2;
	v10 =	vld.idx.msk [tilespmem:v0+s17+$0x0], $0xffff  }
0x17d: {  	v13 =	vshll.u32 v6, $0x2;
	v6 =	vld.idx.msk [tilespmem:v2+s17+$0x0], $0xffff  }
0x17e: {  	v14 =	vshll.u32 v7, $0x2;
	v7 =	vld.idx.msk [tilespmem:v3+s17+$0x0], $0xffff  }
0x17f: {  	v9 =	vshll.u32 v9, $0x2;
	v11 =	vld.idx.msk [tilespmem:v1+s17+$0x0], $0xffff  }
0x180: {  	v8 =	vshll.u32 v8, $0x2;
	v15 =	vld.idx.msk [tilespmem:v4+s17+$0x0], $0xffff  }
0x181: {  	v12 =	vor.u32 $0x1, v0;
	[tilespmem:v5+s19+$0x0] =	vst.idx.add.f32.msk $0xffff, v10  }
0x182: {  	v16 =	vor.u32 $0x1, v1;
	[tilespmem:v13+s19+$0x0] =	vst.idx.add.f32.msk $0xffff, v6  }
0x183: {  	v52 =	vor.u32 $0x1, v3;
	[tilespmem:v14+s19+$0x0] =	vst.idx.add.f32.msk $0xffff, v7  }
0x184: {  	v53 =	vor.u32 $0x1, v4;
	[tilespmem:v9+s19+$0x0] =	vst.idx.add.f32.msk $0xffff, v11  }
0x185: {  	v7 =	vor.u32 $0x1, v2;
	[tilespmem:v8+s19+$0x0] =	vst.idx.add.f32.msk $0xffff, v15  }
0x186: {  	v51 =	vor.u32 $0x1, v5;
	v10 =	vld.idx.msk [tilespmem:v12+s17+$0x0], $0xffff  }
0x187: {  	v6 =	vor.u32 $0x2, v0;
	v55 =	vld.idx.msk [tilespmem:v16+s17+$0x0], $0xffff  }
0x188: {  	v18 =	vor.u32 $0x1, v14;
	v11 =	vld.idx.msk [tilespmem:v52+s17+$0x0], $0xffff  }
0x189: {  	v19 =	vor.u32 $0x1, v8;
	v15 =	vld.idx.msk [tilespmem:v53+s17+$0x0], $0xffff  }
0x18a: {  	v17 =	vor.u32 $0x1, v13;
	v7 =	vld.idx.msk [tilespmem:v7+s17+$0x0], $0xffff  }
0x18b: {  	v58 =	vor.u32 $0x2, v4;
	[tilespmem:v51+s19+$0x0] =	vst.idx.add.f32.msk $0xffff, v10  }
0x18c: {  	v54 =	vor.u32 $0x2, v5;
	v6 =	vld.idx.msk [tilespmem:v6+s17+$0x0], $0xffff  }
0x18d: {  	v0 =	vor.u32 $0x3, v0;
	[tilespmem:v18+s19+$0x0] =	vst.idx.add.f32.msk $0xffff, v11  }
0x18e: {  	v56 =	vor.u32 $0x1, v9;
	[tilespmem:v19+s19+$0x0] =	vst.idx.add.f32.msk $0xffff, v15  }
0x18f: {  	[tilespmem:v17+s19+$0x0] =	vst.idx.add.f32.msk $0xffff, v7;
	v7 =	vor.u32 $0x2, v3  }
0x190: {  	v62 =	vor.u32 $0x2, v8;
	v11 =	vld.idx.msk [tilespmem:v58+s17+$0x0], $0xffff  }
0x191: {  	[tilespmem:v54+s19+$0x0] =	vst.idx.add.f32.msk $0xffff, v6;
	v6 =	vor.u32 $0x2, v1  }
0x192: {  	v5 =	vor.u32 $0x3, v5;
	v0 =	vld.idx.msk [tilespmem:v0+s17+$0x0], $0xffff  }
0x193: {  	v57 =	vor.u32 $0x2, v2;
	[tilespmem:v56+s19+$0x0] =	vst.idx.add.f32.msk $0xffff, v55  }
0x194: {  	v60 =	vor.u32 $0x2, v14;
	v61 =	vld.idx.msk [tilespmem:v7+s17+$0x0], $0xffff  }
0x195: {  	v3 =	vor.u32 $0x3, v3;
	[tilespmem:v62+s19+$0x0] =	vst.idx.add.f32.msk $0xffff, v11  }
0x196: {  	v63 =	vor.u32 $0x3, v4;
	v6 =	vld.idx.msk [tilespmem:v6+s17+$0x0], $0xffff  }
0x197: {  	v59 =	vor.u32 $0x2, v9;
	[tilespmem:v5+s19+$0x0] =	vst.idx.add.f32.msk $0xffff, v0  }
0x198: {  	v1 =	vor.u32 $0x3, v1;
	v5 =	vld.idx.msk [tilespmem:v57+s17+$0x0], $0xffff  }
0x199: {  	v0 =	vor.u32 $0x2, v13;
	[tilespmem:v60+s19+$0x0] =	vst.idx.add.f32.msk $0xffff, v61  }
0x19a: {  	v2 =	vor.u32 $0x3, v2;
	v4 =	vld.idx.msk [tilespmem:v3+s17+$0x0], $0xffff  }
0x19b: {  	v3 =	vld.idx.msk [tilespmem:v63+s17+$0x0], $0xffff  }
0x19c: {  	[tilespmem:v59+s19+$0x0] =	vst.idx.add.f32.msk $0xffff, v6  }
0x19d: {  	v7 =	vld.idx.msk [tilespmem:v1+s17+$0x0], $0xffff  }
0x19e: {  	[tilespmem:v0+s19+$0x0] =	vst.idx.add.f32.msk $0xffff, v5;
	v0 =	vor.u32 $0x3, v13  }
0x19f: {  	s31 =	simm.s32 $0x3070;
	s30 =	simm.s32 $0x0;
	v1 =	vor.u32 $0x3, v14;
	v5 =	vor.u32 $0x3, v9;
	v6 =	vld.idx.msk [tilespmem:v2+s17+$0x0], $0xffff;
	v2 =	vor.u32 $0x3, v8  }
.LBB2_8:
0x1a0: {  	v8 =	vld [tilespmem:s31+$0x20];
	s30 =	sadd.s32 $0x5, s30  }
0x1a1: {  	v9 =	vld [tilespmem:s31+$0xFFFFFFE0];
	p0 =	slt.u32 s30, $0xF5  }
0x1a2: {  	v10 =	vld [tilespmem:s31+$0xFFFFFFF0]  }
0x1a3: {  	v11 =	vld [tilespmem:s31+$0x0]  }
0x1a4: {  	v12 =	vld [tilespmem:s31+$0x10]  }
0x1a5: {  	s29 =	sadd.s32 $0x50, s29;
	v8 =	vshll.u32 v8, $0x2;
	[tilespmem:v5+s19+$0x0] =	vst.idx.add.f32.msk $0xffff, v7  }
0x1a6: {  	v5 =	vshll.u32 v9, $0x2;
	v7 =	vld [tilespmem:s29+$0x20]  }
0x1a7: {  	v9 =	vor.u32 $0x1, v5;
	v13 =	vor.u32 $0x2, v5;
	v14 =	vld [tilespmem:s29+$0xFFFFFFF0];
	v10 =	vshll.u32 v10, $0x2  }
0x1a8: {  	v15 =	vor.u32 $0x1, v10;
	v16 =	vor.u32 $0x2, v10;
	v17 =	vld [tilespmem:s29+$0x0];
	v11 =	vshll.u32 v11, $0x2  }
0x1a9: {  	v18 =	vor.u32 $0x1, v11;
	v19 =	vor.u32 $0x2, v11;
	v20 =	vld [tilespmem:s29+$0x10];
	v12 =	vshll.u32 v12, $0x2  }
0x1aa: {  	v21 =	vor.u32 $0x3, v5;
	v22 =	vor.u32 $0x1, v12;
	v23 =	vor.u32 $0x2, v12;
	v24 =	vld.idx.msk [tilespmem:v8+s17+$0x0], $0xffff  }
0x1ab: {  	v26 =	vor.u32 $0x3, v10;
	v27 =	vor.u32 $0x3, v11;
	v25 =	vld [tilespmem:s29+$0xFFFFFFE0];
	v7 =	vshll.u32 v7, $0x2  }
0x1ac: {  	v30 =	vor.u32 $0x1, v8;
	v29 =	vor.u32 $0x3, v12;
	v28 =	vld.idx.msk [tilespmem:v5+s17+$0x0], $0xffff;
	v14 =	vshll.u32 v14, $0x2  }
0x1ad: {  	v10 =	vld.idx.msk [tilespmem:v10+s17+$0x0], $0xffff;
	v31 =	vor.u32 $0x1, v14;
	v32 =	vor.u32 $0x2, v14;
	v17 =	vshll.u32 v17, $0x2  }
0x1ae: {  	v11 =	vld.idx.msk [tilespmem:v11+s17+$0x0], $0xffff;
	v33 =	vor.u32 $0x1, v17;
	v34 =	vor.u32 $0x2, v17;
	v20 =	vshll.u32 v20, $0x2  }
0x1af: {  	v35 =	vor.u32 $0x3, v14;
	v12 =	vld.idx.msk [tilespmem:v12+s17+$0x0], $0xffff;
	v36 =	vor.u32 $0x1, v20;
	v37 =	vor.u32 $0x2, v20  }
0x1b0: {  	v38 =	vor.u32 $0x3, v17;
	v39 =	vor.u32 $0x3, v20;
	v25 =	vshll.u32 v25, $0x2;
	[tilespmem:v7+s19+$0x0] =	vst.idx.add.f32.msk $0xffff, v24  }
0x1b1: {  	v24 =	vor.u32 $0x1, v25;
	v40 =	vor.u32 $0x2, v25;
	v5 =	vor.u32 $0x3, v25;
	v30 =	vld.idx.msk [tilespmem:v30+s17+$0x0], $0xffff  }
0x1b2: {  	v41 =	vor.u32 $0x1, v7;
	[tilespmem:v0+s19+$0x0] =	vst.idx.add.f32.msk $0xffff, v6;
	v0 =	vmov v35  }
0x1b3: {  	v6 =	vor.u32 $0x2, v8;
	[tilespmem:v14+s19+$0x0] =	vst.idx.add.f32.msk $0xffff, v10  }
0x1b4: {  	[tilespmem:v17+s19+$0x0] =	vst.idx.add.f32.msk $0xffff, v11  }
0x1b5: {  	[tilespmem:v25+s19+$0x0] =	vst.idx.add.f32.msk $0xffff, v28  }
0x1b6: {  	[tilespmem:v20+s19+$0x0] =	vst.idx.add.f32.msk $0xffff, v12  }
0x1b7: {  	[tilespmem:v41+s19+$0x0] =	vst.idx.add.f32.msk $0xffff, v30  }
0x1b8: {  	v6 =	vld.idx.msk [tilespmem:v6+s17+$0x0], $0xffff  }
0x1b9: {  	v10 =	vor.u32 $0x2, v7;
	v9 =	vld.idx.msk [tilespmem:v9+s17+$0x0], $0xffff  }
0x1ba: {  	v8 =	vor.u32 $0x3, v8;
	v11 =	vld.idx.msk [tilespmem:v15+s17+$0x0], $0xffff  }
0x1bb: {  	v12 =	vld.idx.msk [tilespmem:v18+s17+$0x0], $0xffff  }
0x1bc: {  	v14 =	vld.idx.msk [tilespmem:v22+s17+$0x0], $0xffff  }
0x1bd: {  	[tilespmem:v1+s19+$0x0] =	vst.idx.add.f32.msk $0xffff, v4;
	v1 =	vmov v38  }
0x1be: {  	[tilespmem:v10+s19+$0x0] =	vst.idx.add.f32.msk $0xffff, v6  }
0x1bf: {  	v4 =	vld.idx.msk [tilespmem:v8+s17+$0x0], $0xffff  }
0x1c0: {  	v6 =	vor.u32 $0x3, v7;
	[tilespmem:v24+s19+$0x0] =	vst.idx.add.f32.msk $0xffff, v9  }
0x1c1: {  	[tilespmem:v31+s19+$0x0] =	vst.idx.add.f32.msk $0xffff, v11  }
0x1c2: {  	[tilespmem:v33+s19+$0x0] =	vst.idx.add.f32.msk $0xffff, v12  }
0x1c3: {  	[tilespmem:v36+s19+$0x0] =	vst.idx.add.f32.msk $0xffff, v14  }
0x1c4: {  	v7 =	vld.idx.msk [tilespmem:v13+s17+$0x0], $0xffff  }
0x1c5: {  	[tilespmem:v6+s19+$0x0] =	vst.idx.add.f32.msk $0xffff, v4  }
0x1c6: {  	v4 =	vld.idx.msk [tilespmem:v16+s17+$0x0], $0xffff  }
0x1c7: {  	v6 =	vld.idx.msk [tilespmem:v19+s17+$0x0], $0xffff  }
0x1c8: {  	v8 =	vld.idx.msk [tilespmem:v23+s17+$0x0], $0xffff  }
0x1c9: {  	[tilespmem:v2+s19+$0x0] =	vst.idx.add.f32.msk $0xffff, v3;
	v2 =	vmov v39  }
0x1ca: {  	[tilespmem:v40+s19+$0x0] =	vst.idx.add.f32.msk $0xffff, v7  }
0x1cb: {  	v7 =	vld.idx.msk [tilespmem:v21+s17+$0x0], $0xffff  }
0x1cc: {  	[tilespmem:v32+s19+$0x0] =	vst.idx.add.f32.msk $0xffff, v4  }
.Ltmp3:
0x1cd: {  	[tilespmem:v34+s19+$0x0] =	vst.idx.add.f32.msk $0xffff, v6;
	(pc) =	sbr.rel @p0 .LBB2_8-.Ltmp3, $4  }
0x1ce: {  	[tilespmem:v37+s19+$0x0] =	vst.idx.add.f32.msk $0xffff, v8  }
0x1cf: {  	v6 =	vld.idx.msk [tilespmem:v26+s17+$0x0], $0xffff  }
0x1d0: {  	v4 =	vld.idx.msk [tilespmem:v27+s17+$0x0], $0xffff  }
0x1d1: {  	s31 =	sadd.s32 $0x50, s31;
	v3 =	vld.idx.msk [tilespmem:v29+s17+$0x0], $0xffff  }
0x1d2: {  	_ =	sdelay $0x3  }
0x1d3: {  	[tilespmem:v5+s19+$0x0] =	vst.idx.add.f32.msk $0xffff, v7  }
0x1d4: {  	[tilespmem:v0+s19+$0x0] =	vst.idx.add.f32.msk $0xffff, v6  }
0x1d5: {  	[tilespmem:v1+s19+$0x0] =	vst.idx.add.f32.msk $0xffff, v4  }
0x1d6: {  	[tilespmem:v2+s19+$0x0] =	vst.idx.add.f32.msk $0xffff, v3  }
0x1d7: {  	_ =	swait.ge [sflag:s21], $0xFA0  }
0x1d8: {  	[sflag:s21] =	ssyncset.done $0x0  }
0x1d9: {  	[sflag:s21] =	ssyncadd.s32 $0xFFFFF060  }
0x1da: {  	_ =	swait.ge [sflag:s21], $0xFA0  }
0x1db: {  	[sflag:s21] =	ssyncset.done $0x0  }
0x1dc: {  	s30 =	simm.s32 $0x1020;
	[sflag:s21] =	ssyncadd.s32 $0xFFFFF060  }
0x1dd: {  	v0 =	vld [tilespmem:s30+$0x20]  }
0x1de: {  	v2 =	vld [tilespmem:s30+$0xFFFFFFF0]  }
0x1df: {  	v3 =	vld [tilespmem:s30+$0x0]  }
0x1e0: {  	v1 =	vld [tilespmem:s30+$0xFFFFFFE0]  }
0x1e1: {  	s29 =	simm.s32 $0x20;
	v4 =	vld [tilespmem:s30+$0x10]  }
0x1e2: {  	v5 =	vld [tilespmem:s29+$0x20];
	v0 =	vshll.u32 v0, $0x2  }
0x1e3: {  	v6 =	vld [tilespmem:s29+$0xFFFFFFF0];
	v2 =	vshll.u32 v2, $0x2  }
0x1e4: {  	v7 =	vld [tilespmem:s29+$0x0];
	v3 =	vshll.u32 v3, $0x2  }
0x1e5: {  	v9 =	vld [tilespmem:s29+$0xFFFFFFE0];
	v1 =	vshll.u32 v1, $0x2  }
0x1e6: {  	v8 =	vld [tilespmem:s29+$0x10];
	v4 =	vshll.u32 v4, $0x2  }
0x1e7: {  	v5 =	vshll.u32 v5, $0x2;
	v10 =	vld.idx.msk [tilespmem:v0+s17+$0x0], $0xffff  }
0x1e8: {  	v13 =	vshll.u32 v6, $0x2;
	v6 =	vld.idx.msk [tilespmem:v2+s17+$0x0], $0xffff  }
0x1e9: {  	v14 =	vshll.u32 v7, $0x2;
	v7 =	vld.idx.msk [tilespmem:v3+s17+$0x0], $0xffff  }
0x1ea: {  	v9 =	vshll.u32 v9, $0x2;
	v11 =	vld.idx.msk [tilespmem:v1+s17+$0x0], $0xffff  }
0x1eb: {  	v8 =	vshll.u32 v8, $0x2;
	v15 =	vld.idx.msk [tilespmem:v4+s17+$0x0], $0xffff  }
0x1ec: {  	v12 =	vor.u32 $0x1, v0;
	[tilespmem:v5+s19+$0x0] =	vst.idx.add.f32.msk $0xffff, v10  }
0x1ed: {  	v16 =	vor.u32 $0x1, v1;
	[tilespmem:v13+s19+$0x0] =	vst.idx.add.f32.msk $0xffff, v6  }
0x1ee: {  	v52 =	vor.u32 $0x1, v3;
	[tilespmem:v14+s19+$0x0] =	vst.idx.add.f32.msk $0xffff, v7  }
0x1ef: {  	v53 =	vor.u32 $0x1, v4;
	[tilespmem:v9+s19+$0x0] =	vst.idx.add.f32.msk $0xffff, v11  }
0x1f0: {  	v7 =	vor.u32 $0x1, v2;
	[tilespmem:v8+s19+$0x0] =	vst.idx.add.f32.msk $0xffff, v15  }
0x1f1: {  	v51 =	vor.u32 $0x1, v5;
	v10 =	vld.idx.msk [tilespmem:v12+s17+$0x0], $0xffff  }
0x1f2: {  	v6 =	vor.u32 $0x2, v0;
	v55 =	vld.idx.msk [tilespmem:v16+s17+$0x0], $0xffff  }
0x1f3: {  	v18 =	vor.u32 $0x1, v14;
	v11 =	vld.idx.msk [tilespmem:v52+s17+$0x0], $0xffff  }
0x1f4: {  	v19 =	vor.u32 $0x1, v8;
	v15 =	vld.idx.msk [tilespmem:v53+s17+$0x0], $0xffff  }
0x1f5: {  	v17 =	vor.u32 $0x1, v13;
	v7 =	vld.idx.msk [tilespmem:v7+s17+$0x0], $0xffff  }
0x1f6: {  	v58 =	vor.u32 $0x2, v4;
	[tilespmem:v51+s19+$0x0] =	vst.idx.add.f32.msk $0xffff, v10  }
0x1f7: {  	v54 =	vor.u32 $0x2, v5;
	v6 =	vld.idx.msk [tilespmem:v6+s17+$0x0], $0xffff  }
0x1f8: {  	v0 =	vor.u32 $0x3, v0;
	[tilespmem:v18+s19+$0x0] =	vst.idx.add.f32.msk $0xffff, v11  }
0x1f9: {  	v56 =	vor.u32 $0x1, v9;
	[tilespmem:v19+s19+$0x0] =	vst.idx.add.f32.msk $0xffff, v15  }
0x1fa: {  	[tilespmem:v17+s19+$0x0] =	vst.idx.add.f32.msk $0xffff, v7;
	v7 =	vor.u32 $0x2, v3  }
0x1fb: {  	v62 =	vor.u32 $0x2, v8;
	v11 =	vld.idx.msk [tilespmem:v58+s17+$0x0], $0xffff  }
0x1fc: {  	[tilespmem:v54+s19+$0x0] =	vst.idx.add.f32.msk $0xffff, v6;
	v6 =	vor.u32 $0x2, v1  }
0x1fd: {  	v5 =	vor.u32 $0x3, v5;
	v0 =	vld.idx.msk [tilespmem:v0+s17+$0x0], $0xffff  }
0x1fe: {  	v57 =	vor.u32 $0x2, v2;
	[tilespmem:v56+s19+$0x0] =	vst.idx.add.f32.msk $0xffff, v55  }
0x1ff: {  	v60 =	vor.u32 $0x2, v14;
	v61 =	vld.idx.msk [tilespmem:v7+s17+$0x0], $0xffff  }
0x200: {  	v3 =	vor.u32 $0x3, v3;
	[tilespmem:v62+s19+$0x0] =	vst.idx.add.f32.msk $0xffff, v11  }
0x201: {  	v63 =	vor.u32 $0x3, v4;
	v6 =	vld.idx.msk [tilespmem:v6+s17+$0x0], $0xffff  }
0x202: {  	v59 =	vor.u32 $0x2, v9;
	[tilespmem:v5+s19+$0x0] =	vst.idx.add.f32.msk $0xffff, v0  }
0x203: {  	v1 =	vor.u32 $0x3, v1;
	v5 =	vld.idx.msk [tilespmem:v57+s17+$0x0], $0xffff  }
0x204: {  	v0 =	vor.u32 $0x2, v13;
	[tilespmem:v60+s19+$0x0] =	vst.idx.add.f32.msk $0xffff, v61  }
0x205: {  	v2 =	vor.u32 $0x3, v2;
	v4 =	vld.idx.msk [tilespmem:v3+s17+$0x0], $0xffff  }
0x206: {  	v3 =	vld.idx.msk [tilespmem:v63+s17+$0x0], $0xffff  }
0x207: {  	[tilespmem:v59+s19+$0x0] =	vst.idx.add.f32.msk $0xffff, v6  }
0x208: {  	v7 =	vld.idx.msk [tilespmem:v1+s17+$0x0], $0xffff  }
0x209: {  	[tilespmem:v0+s19+$0x0] =	vst.idx.add.f32.msk $0xffff, v5;
	v0 =	vor.u32 $0x3, v13  }
0x20a: {  	s31 =	simm.s32 $0x1070;
	s30 =	simm.s32 $0x0;
	v1 =	vor.u32 $0x3, v14;
	v5 =	vor.u32 $0x3, v9;
	v6 =	vld.idx.msk [tilespmem:v2+s17+$0x0], $0xffff;
	v2 =	vor.u32 $0x3, v8  }
.LBB2_10:
0x20b: {  	v8 =	vld [tilespmem:s31+$0x20];
	s30 =	sadd.s32 $0x5, s30  }
0x20c: {  	v9 =	vld [tilespmem:s31+$0xFFFFFFE0];
	p0 =	slt.u32 s30, $0xF5  }
0x20d: {  	v10 =	vld [tilespmem:s31+$0xFFFFFFF0]  }
0x20e: {  	v11 =	vld [tilespmem:s31+$0x0]  }
0x20f: {  	v12 =	vld [tilespmem:s31+$0x10]  }
0x210: {  	s29 =	sadd.s32 $0x50, s29;
	v8 =	vshll.u32 v8, $0x2;
	[tilespmem:v5+s19+$0x0] =	vst.idx.add.f32.msk $0xffff, v7  }
0x211: {  	v5 =	vshll.u32 v9, $0x2;
	v7 =	vld [tilespmem:s29+$0x20]  }
0x212: {  	v9 =	vor.u32 $0x1, v5;
	v13 =	vor.u32 $0x2, v5;
	v14 =	vld [tilespmem:s29+$0xFFFFFFF0];
	v10 =	vshll.u32 v10, $0x2  }
0x213: {  	v15 =	vor.u32 $0x1, v10;
	v16 =	vor.u32 $0x2, v10;
	v17 =	vld [tilespmem:s29+$0x0];
	v11 =	vshll.u32 v11, $0x2  }
0x214: {  	v18 =	vor.u32 $0x1, v11;
	v19 =	vor.u32 $0x2, v11;
	v20 =	vld [tilespmem:s29+$0x10];
	v12 =	vshll.u32 v12, $0x2  }
0x215: {  	v21 =	vor.u32 $0x3, v5;
	v22 =	vor.u32 $0x1, v12;
	v23 =	vor.u32 $0x2, v12;
	v24 =	vld.idx.msk [tilespmem:v8+s17+$0x0], $0xffff  }
0x216: {  	v26 =	vor.u32 $0x3, v10;
	v27 =	vor.u32 $0x3, v11;
	v25 =	vld [tilespmem:s29+$0xFFFFFFE0];
	v7 =	vshll.u32 v7, $0x2  }
0x217: {  	v30 =	vor.u32 $0x1, v8;
	v29 =	vor.u32 $0x3, v12;
	v28 =	vld.idx.msk [tilespmem:v5+s17+$0x0], $0xffff;
	v14 =	vshll.u32 v14, $0x2  }
0x218: {  	v10 =	vld.idx.msk [tilespmem:v10+s17+$0x0], $0xffff;
	v31 =	vor.u32 $0x1, v14;
	v32 =	vor.u32 $0x2, v14;
	v17 =	vshll.u32 v17, $0x2  }
0x219: {  	v11 =	vld.idx.msk [tilespmem:v11+s17+$0x0], $0xffff;
	v33 =	vor.u32 $0x1, v17;
	v34 =	vor.u32 $0x2, v17;
	v20 =	vshll.u32 v20, $0x2  }
0x21a: {  	v35 =	vor.u32 $0x3, v14;
	v12 =	vld.idx.msk [tilespmem:v12+s17+$0x0], $0xffff;
	v36 =	vor.u32 $0x1, v20;
	v37 =	vor.u32 $0x2, v20  }
0x21b: {  	v38 =	vor.u32 $0x3, v17;
	v39 =	vor.u32 $0x3, v20;
	v25 =	vshll.u32 v25, $0x2;
	[tilespmem:v7+s19+$0x0] =	vst.idx.add.f32.msk $0xffff, v24  }
0x21c: {  	v24 =	vor.u32 $0x1, v25;
	v40 =	vor.u32 $0x2, v25;
	v5 =	vor.u32 $0x3, v25;
	v30 =	vld.idx.msk [tilespmem:v30+s17+$0x0], $0xffff  }
0x21d: {  	v41 =	vor.u32 $0x1, v7;
	[tilespmem:v0+s19+$0x0] =	vst.idx.add.f32.msk $0xffff, v6;
	v0 =	vmov v35  }
0x21e: {  	v6 =	vor.u32 $0x2, v8;
	[tilespmem:v14+s19+$0x0] =	vst.idx.add.f32.msk $0xffff, v10  }
0x21f: {  	[tilespmem:v17+s19+$0x0] =	vst.idx.add.f32.msk $0xffff, v11  }
0x220: {  	[tilespmem:v25+s19+$0x0] =	vst.idx.add.f32.msk $0xffff, v28  }
0x221: {  	[tilespmem:v20+s19+$0x0] =	vst.idx.add.f32.msk $0xffff, v12  }
0x222: {  	[tilespmem:v41+s19+$0x0] =	vst.idx.add.f32.msk $0xffff, v30  }
0x223: {  	v6 =	vld.idx.msk [tilespmem:v6+s17+$0x0], $0xffff  }
0x224: {  	v10 =	vor.u32 $0x2, v7;
	v9 =	vld.idx.msk [tilespmem:v9+s17+$0x0], $0xffff  }
0x225: {  	v8 =	vor.u32 $0x3, v8;
	v11 =	vld.idx.msk [tilespmem:v15+s17+$0x0], $0xffff  }
0x226: {  	v12 =	vld.idx.msk [tilespmem:v18+s17+$0x0], $0xffff  }
0x227: {  	v14 =	vld.idx.msk [tilespmem:v22+s17+$0x0], $0xffff  }
0x228: {  	[tilespmem:v1+s19+$0x0] =	vst.idx.add.f32.msk $0xffff, v4;
	v1 =	vmov v38  }
0x229: {  	[tilespmem:v10+s19+$0x0] =	vst.idx.add.f32.msk $0xffff, v6  }
0x22a: {  	v4 =	vld.idx.msk [tilespmem:v8+s17+$0x0], $0xffff  }
0x22b: {  	v6 =	vor.u32 $0x3, v7;
	[tilespmem:v24+s19+$0x0] =	vst.idx.add.f32.msk $0xffff, v9  }
0x22c: {  	[tilespmem:v31+s19+$0x0] =	vst.idx.add.f32.msk $0xffff, v11  }
0x22d: {  	[tilespmem:v33+s19+$0x0] =	vst.idx.add.f32.msk $0xffff, v12  }
0x22e: {  	[tilespmem:v36+s19+$0x0] =	vst.idx.add.f32.msk $0xffff, v14  }
0x22f: {  	v7 =	vld.idx.msk [tilespmem:v13+s17+$0x0], $0xffff  }
0x230: {  	[tilespmem:v6+s19+$0x0] =	vst.idx.add.f32.msk $0xffff, v4  }
0x231: {  	v4 =	vld.idx.msk [tilespmem:v16+s17+$0x0], $0xffff  }
0x232: {  	v6 =	vld.idx.msk [tilespmem:v19+s17+$0x0], $0xffff  }
0x233: {  	v8 =	vld.idx.msk [tilespmem:v23+s17+$0x0], $0xffff  }
0x234: {  	[tilespmem:v2+s19+$0x0] =	vst.idx.add.f32.msk $0xffff, v3;
	v2 =	vmov v39  }
0x235: {  	[tilespmem:v40+s19+$0x0] =	vst.idx.add.f32.msk $0xffff, v7  }
0x236: {  	v7 =	vld.idx.msk [tilespmem:v21+s17+$0x0], $0xffff  }
0x237: {  	[tilespmem:v32+s19+$0x0] =	vst.idx.add.f32.msk $0xffff, v4  }
.Ltmp4:
0x238: {  	[tilespmem:v34+s19+$0x0] =	vst.idx.add.f32.msk $0xffff, v6;
	(pc) =	sbr.rel @p0 .LBB2_10-.Ltmp4, $4  }
0x239: {  	[tilespmem:v37+s19+$0x0] =	vst.idx.add.f32.msk $0xffff, v8  }
0x23a: {  	v6 =	vld.idx.msk [tilespmem:v26+s17+$0x0], $0xffff  }
0x23b: {  	v4 =	vld.idx.msk [tilespmem:v27+s17+$0x0], $0xffff  }
0x23c: {  	s31 =	sadd.s32 $0x50, s31;
	v3 =	vld.idx.msk [tilespmem:v29+s17+$0x0], $0xffff  }
0x23d: {  	_ =	sdelay $0x3  }
0x23e: {  	[tilespmem:v5+s19+$0x0] =	vst.idx.add.f32.msk $0xffff, v7  }
0x23f: {  	s28 =	sadd.s32 $0x1, s28;
	[tilespmem:v0+s19+$0x0] =	vst.idx.add.f32.msk $0xffff, v6  }
0x240: {  	p0 =	sne.s32 s28, s15;
	[tilespmem:v1+s19+$0x0] =	vst.idx.add.f32.msk $0xffff, v4  }
.Ltmp5:
0x241: {  	[tilespmem:v2+s19+$0x0] =	vst.idx.add.f32.msk $0xffff, v3;
	(pc) =	sbr.rel @p0 .LBB2_1-.Ltmp5, $4  }
0x242: {  	[hbm4b:s14+s25] =	stream.strided.scatter [tilespmem:s19], [sflag:$0x3], $0x9C80, s26, s25, $0x38;
	[tilespmem:$0x17900] =	vst v63  }
0x243: {  	_ =	swait.ge [sflag:s18], $0x9C80  }
0x244: {  	[sflag:s18] =	ssyncset.done $0x0  }
0x245: {  	[sflag:s18] =	ssyncadd.s32 $0xFFFF6380  }
0x246: {  	_ =	sfence.sel $0x180000  }
0x247: {  	[bflag:$0x0] =	sbarrier.arrive $0xFFFF  }
0x248: {  	p0 =	sne.s32 s0, $0x0;
	_ =	strace $0x9000004A  }
0x249: {  	s0 =	sadd.s32 @!p0 $0x100000, s1;
	[bflag:$0x2] =	sbarrier.arrive $0xFFFF  }
0x24a: {  	[sflag:s0] =	ssyncadd.tile.s32 @!p0 $0x1;
	_ =	shalt  }
.Lfunc_end2:
_tile_overlayer_lowered:
.L_overlay_start_2:
0x24b: {  	(tag) =	ssettag $0x2  }
0x24c: {  	s0 =	rddreg [dreg:$0x0];
	s2 =	stileid.u32  }
0x24d: {  	s1 =	rddreg [dreg:$0x1];
	p0 =	sne.s32 s2, $0x0  }
0x24e: {  	s3 =	rddreg [dreg:$0x2];
	[bflag:$0x3] =	sbarrier.arrive $0xFFFF;
	s2 =	simm.s32 @!p0 $0x1C03  }
0x24f: {  	[timem:s3], [sflag:s2] =	dma.local @!p0 [hbm:s0], s1  }
0x250: {  	s0 =	simm.s32 @!p0 $0x3  }
0x251: {  	_ =	swait.ge @!p0 [sflag:s0], s1  }
0x252: {  	s1 =	ssub.s32 @!p0 $0x0, s1;
	[sflag:s0] =	ssyncset.done @!p0 $0x0  }
0x253: {  	[sflag:s0] =	ssyncadd.s32 @!p0 s1  }
0x254: {  	[bflag:$0x3] =	sbarrier.arrive $0xFFFF  }
0x255: {  	_ =	shalt  }

// kernel: kernel.7.cloned.1.call-start
scs
__scs_entry_jumppad:
0x0: {  	(pc) =	sbr.rel $0x88, $3  }
0x1: {  	(tag) =	ssettag $0x0;
	lr =	simm.s32 $0x1  }
0x2: {  	[smem:$0x3F85] =	sst lr;
	_ =	strace $0xD0000000  }
0x3: {  	_ = 	snop  }
0x4: {  	_ = 	snop  }
0x5: {  	_ = 	snop  }
0x6: {  	_ = 	snop  }
0x7: {  	_ = 	snop  }
__scs_overlays_trampoline_lowered:
0x8: {  	[smem:$0x3F94] =	sst s0  }
0x9: {  	[smem:$0x3F95] =	sst s1  }
0xa: {  	[smem:$0x3F96] =	sst s2  }
0xb: {  	[smem:$0x3F97] =	sst s3  }
0xc: {  	[smem:$0x3F98] =	sst s4  }
0xd: {  	[smem:$0x3F99] =	sst s5  }
0xe: {  	[smem:$0x3F9A] =	sst s6  }
0xf: {  	[smem:$0x3F9B] =	sst s7  }
0x10: {  	[smem:$0x3F9C] =	sst s8  }
0x11: {  	[smem:$0x3F9D] =	sst s9;
	s0 =	simm.s32 @!p0 $0x0  }
0x12: {  	s1 =	sld [smem:$0x3F83];
	s0 =	simm.s32 @p0 $0x1  }
0x13: {  	[smem:$0x3F9E] =	sst s0;
	s0 =	simm.s32 @!p1 $0x0  }
0x14: {  	s2 =	sld [smem:$0x3F82];
	s0 =	simm.s32 @p1 $0x1  }
0x15: {  	[smem:$0x3F9F] =	sst s0;
	s0 =	simm.s32 @!p2 $0x0  }
0x16: {  	s3 =	sld [smem:$0x3FDB];
	s0 =	simm.s32 @p2 $0x1  }
0x17: {  	s4 =	simm.s32 $0x1BF5;
	[smem:$0x3FA1] =	sst s0  }
0x18: {  	s0 =	sld [smem:$0x3F84];
	_ =	swait.ge [sflag:s4], $0x0  }
0x19: {  	s7 =	sld [smem:$0x3F85]  }
0x1a: {  	s8 =	sadd.s32 $0xFFFFE003, lr  }
0x1b: {  	s9 =	sadd.s32 $0xFFFFFEF7, lr;
	s5 =	simm.s32 $0xFFFFFFFF;
	p2 =	slt.u32 s8, $0xFFFFF086  }
0x1c: {  	p1 =	slt.u32 s9, $0xF7A;
	s5 =	simm.s32 @!p2 $0x0  }
0x1d: {  	s5 =	simm.s32 @p1 $0x1;
	p0 =	seq.s32 s7, s2  }
0x1e: {  	s7 =	smul.u32 @!p0 $0xF7A, s2;
	p2 =	seq.s32 @!p0 s5, $0x0  }
0x1f: {  	s9 =	smul.u32 $0xF7A, s1;
	s8 =	simm.s32 @!p0 $0x1BF5;
	p2 =	por !p2, p0  }
0x20: {  	[sflag:s8] =	ssyncset.s32 @!p0 $0xFFFFF086;
	s6 =	sadd.s32 @!p0 s3, s7;
	s7 =	simm.s32 @!p0 $0x108  }
0x21: {  	s3 =	sadd.s32 s3, s9;
	s6 =	sadd.s32 @!p0 $0x88, s6;
	s7 =	simm.s32 @p2 $0x1082  }
0x22: {  	[simem:s7], [sflag:s8] =	dma.local @!p0 [hbm:s6], $0xF7A  }
0x23: {  	s9 =	sor.u32 $0xD0000000, s2;
	s6 =	simm.s32 $0x108;
	_ =	swait.ge @!p0 [sflag:s8], $0x0  }
0x24: {  	s3 =	sadd.s32 $0x88, s3;
	s6 =	simm.s32 @!p1 $0x1082;
	[sflag:s4] =	ssyncset.s32 $0xFFFFF086  }
0x25: {  	[simem:s6], [sflag:s4] =	dma.local [hbm:s3], $0xF7A  }
0x26: {  	[smem:$0x3F85] =	sst s1;
	(tag) =	ssettag s2;
	_ =	strace s9  }
0x27: {  	s1 =	sld [smem:$0x3F95]  }
0x28: {  	s2 =	sld [smem:$0x3F96]  }
0x29: {  	s4 =	sld [smem:$0x3F98]  }
0x2a: {  	p0 =	seq.s32 s5, $0x0;
	s5 =	sld [smem:$0x3F99]  }
0x2b: {  	s6 =	sld [smem:$0x3F9A]  }
0x2c: {  	s7 =	sld [smem:$0x3F9B]  }
0x2d: {  	s3 =	simm.s32 $0x108;
	s8 =	sld [smem:$0x3F9C]  }
0x2e: {  	s3 =	simm.s32 @!p0 $0x1082;
	s9 =	sld [smem:$0x3F9D]  }
0x2f: {  	lr =	sadd.s32 s0, s3;
	s0 =	sld [smem:$0x3F94]  }
0x30: {  	s3 =	sld [smem:$0x3F97]  }
0x31: {  	[smem:$0x3FA0] =	sst s10  }
0x32: {  	s10 =	sld [smem:$0x3F9E];
	_ =	sdelay $0x3  }
0x33: {  	p0 =	seq.s32 s10, $0x1;
	s10 =	sld [smem:$0x3FA0];
	_ =	sdelay $0x3  }
0x34: {  	[smem:$0x3FA0] =	sst s10  }
0x35: {  	s10 =	sld [smem:$0x3F9F];
	_ =	sdelay $0x3  }
0x36: {  	p1 =	seq.s32 s10, $0x1;
	s10 =	sld [smem:$0x3FA0];
	_ =	sdelay $0x3  }
0x37: {  	[smem:$0x3FA0] =	sst s10  }
0x38: {  	s10 =	sld [smem:$0x3FA1]  }
0x39: {  	_ = 	snop;
	(pc) =	sbr.ind lr, $3  }
0x3a: {  	_ = 	snop  }
0x3b: {  	_ = 	snop  }
0x3c: {  	p2 =	seq.s32 s10, $0x1;
	s10 =	sld [smem:$0x3FA0]  }
0x3d: {  	_ =	shalt  }
0x3e: {  	_ =	shalt  }
0x3f: {  	_ =	shalt  }
0x40: {  	_ =	shalt  }
0x41: {  	_ =	shalt  }
0x42: {  	_ =	shalt  }
0x43: {  	_ =	shalt  }
0x44: {  	_ =	shalt  }
0x45: {  	_ =	shalt  }
0x46: {  	_ =	shalt  }
0x47: {  	_ =	shalt  }
0x48: {  	_ =	shalt  }
0x49: {  	_ =	shalt  }
0x4a: {  	_ =	shalt  }
0x4b: {  	_ =	shalt  }
0x4c: {  	_ =	shalt  }
0x4d: {  	_ =	shalt  }
0x4e: {  	_ =	shalt  }
0x4f: {  	_ =	shalt  }
0x50: {  	_ =	shalt  }
0x51: {  	_ =	shalt  }
0x52: {  	_ =	shalt  }
0x53: {  	_ =	shalt  }
0x54: {  	_ =	shalt  }
0x55: {  	_ =	shalt  }
0x56: {  	_ =	shalt  }
0x57: {  	_ =	shalt  }
0x58: {  	_ =	shalt  }
0x59: {  	_ =	shalt  }
0x5a: {  	_ =	shalt  }
0x5b: {  	_ =	shalt  }
0x5c: {  	_ =	shalt  }
0x5d: {  	_ =	shalt  }
0x5e: {  	_ =	shalt  }
0x5f: {  	_ =	shalt  }
0x60: {  	_ =	shalt  }
0x61: {  	_ =	shalt  }
0x62: {  	_ =	shalt  }
0x63: {  	_ =	shalt  }
0x64: {  	_ =	shalt  }
0x65: {  	_ =	shalt  }
0x66: {  	_ =	shalt  }
0x67: {  	_ =	shalt  }
0x68: {  	_ =	shalt  }
0x69: {  	_ =	shalt  }
0x6a: {  	_ =	shalt  }
0x6b: {  	_ =	shalt  }
0x6c: {  	_ =	shalt  }
0x6d: {  	_ =	shalt  }
0x6e: {  	_ =	shalt  }
0x6f: {  	_ =	shalt  }
0x70: {  	_ =	shalt  }
0x71: {  	_ =	shalt  }
0x72: {  	_ =	shalt  }
0x73: {  	_ =	shalt  }
0x74: {  	_ =	shalt  }
0x75: {  	_ =	shalt  }
0x76: {  	_ =	shalt  }
0x77: {  	_ =	shalt  }
0x78: {  	_ =	shalt  }
0x79: {  	_ =	shalt  }
0x7a: {  	_ =	shalt  }
0x7b: {  	_ =	shalt  }
0x7c: {  	_ =	shalt  }
0x7d: {  	_ =	shalt  }
0x7e: {  	_ =	shalt  }
0x7f: {  	_ =	shalt  }
0x80: {  	_ =	shalt  }
0x81: {  	_ =	shalt  }
0x82: {  	_ =	shalt  }
0x83: {  	_ =	shalt  }
0x84: {  	_ =	shalt  }
0x85: {  	_ =	shalt  }
0x86: {  	_ =	shalt  }
0x87: {  	_ =	shalt  }
.Lfunc_end0:
.L_simem_size_0:
called_computation_lowered:
.L_overlay_start_0:
0x88: {  	s2 =	sld [smem:$0x3FD9]  }
0x89: {  	s3 =	sld [smem:$0x3FFE];
	_ =	sdelay $0x1  }
0x8a: {  	s1 =	srdreg.scid  }
0x8b: {  	s0 =	sand.u32 $0x1, s1  }
0x8c: {  	s16 =	sshll.u32 s0, $0xA;
	s2 =	sadd.s32 s3, s2  }
0x8d: {  	s2 =	sadd.s32 s2, s16  }
0x8e: {  	[smem:$0x3FAC] =	sst s2  }
0x8f: {  	_ = 	snop  }
0x90: {  	(tm) =	ssettm $0x1  }
0x91: {  	s17 =	sld [smem:$0x3FFB];
	_ =	sdelay $0x3  }
0x92: {  	_ =	strace s17  }
0x93: {  	s2 =	sld [smem:$0x3FFC];
	_ =	sdelay $0x3  }
0x94: {  	_ =	strace s2  }
0x95: {  	s2 =	sld [smem:$0x3FFD];
	_ =	sdelay $0x3  }
0x96: {  	_ =	strace s2  }
0x97: {  	_ =	strace $0x8FFFFFFF  }
0x98: {  	s18 =	sld [smem:$0x3FDB];
	_ =	sdelay $0x1  }
0x99: {  	s19 =	simm.s32 $_scs_section_size  }
0x9a: {  	s4 =	simm.s32 $_size__tile_overlayer_lowered;
	s5 =	simm.s32 $_tile_overlayer_lowered  }
0x9b: {  	s22 =	simm.s32 $0x1BFF;
	s21 =	sshll.u32 s5, $0x1;
	s2 =	sadd.s32 s19, s18  }
0x9c: {  	s6 =	simm.s32 $0x0;
	s20 =	sshll.u32 s4, $0x1;
	s4 =	sadd.s32 s21, s2  }
0x9d: {  	[timem:s6], [sflag:s22] =	dma.local [hbm:s4], s20  }
0x9e: {  	_ =	swait.ge [sflag:s22], s20  }
0x9f: {  	s3 =	ssub.s32 $0x0, s20;
	[sflag:s22] =	ssyncset.done $0x0  }
0xa0: {  	[sflag:s22] =	ssyncadd.s32 s3;
	_ =	sdelay $0x1  }
0xa1: {  	s23 =	simm.s32 $0x1B8B  }
0xa2: {  	_ =	swait.ge [sflag:s23], $0x1  }
0xa3: {  	[sflag:s23] =	ssyncset.done $0x0  }
0xa4: {  	s25 =	simm.s32 $0x1B8E;
	s24 =	sld [smem:$0x3FFE];
	[sflag:s23] =	ssyncadd.s32 $0xFFFFFFFF  }
0xa5: {  	s26 =	simm.s32 $execute0_lowered;
	[smem:$0x3FD2] =	sst s25  }
0xa6: {  	s4 =	sshll.u32 s26, $0x1;
	_ =	strace $0x80000046;
	[dreg:$0x1] =	wrdreg $0xFFFFFFFF  }
0xa7: {  	s28 =	simm.s32 $_size_execute0_lowered;
	s2 =	sadd.s32 s2, s4;
	[dreg:$0x0] =	wrdreg $0x0  }
0xa8: {  	s4 =	sshll.u32 s28, $0x1;
	[dreg:$0x2] =	wrdreg s2  }
0xa9: {  	[dreg:$0x3] =	wrdreg s4  }
0xaa: {  	[dreg:$0x4] =	wrdreg $0xC0  }
0xab: {  	_ =	task [dreg:s6], $0x5FFFF  }
0xac: {  	[dreg:$0x1] =	wrdreg $0xFFFFFFFF  }
0xad: {  	[dreg:$0x0] =	wrdreg $0x60  }
0xae: {  	[dreg:$0x2] =	wrdreg s24  }
0xaf: {  	[dreg:$0x3] =	wrdreg $0x9  }
0xb0: {  	_ =	task.clear_ibuf [dreg:s6], $0x4FFFF;
	_ =	strace $0x90000046  }
0xb1: {  	s29 =	simm.s32 $0x9;
	_ =	strace $0x80000048  }
0xb2: {  	_ =	swait.ge [sflag:s29], $0x1  }
0xb3: {  	[sflag:s29] =	ssyncadd.s32 $0xFFFFFFFF  }
0xb4: {  	_ =	strace $0x90000048  }
0xb5: {  	_ =	sfence  }
0xb6: {  	s30 =	sld [smem:$0x0];
	_ =	sdelay $0x2  }
0xb7: {  	s31 =	sshll.u32 s1, $0xD;
	s1 =	sshrl.u32 s1, $0x2  }
0xb8: {  	s3 =	sand.u32 $0x4000, s31;
	s1 =	sadd.s32 s1, s30  }
0xb9: {  	s0 =	sor.u32 s3, s0;
	s1 =	sshll.u32 s1, $0x11  }
0xba: {  	s0 =	sor.u32 s1, s0  }
0xbb: {  	s0 =	sadd.s32 $0x8F2B, s0  }
0xbc: {  	[sflag:s0] =	ssyncadd.remote.s32 $0x1  }
0xbd: {  	_ =	sfence.sel $0xFFFF  }
0xbe: {  	[dreg:$0x0] =	wrdreg $0xFFFFFFFF;
	(pc) =	sbr.abs _section_cstart, $3  }
0xbf: {  	[dreg:$0x1] =	wrdreg $0xFFFFFFFF  }
0xc0: {  	_ =	task.clear_ibuf [dreg:s6], $0x2FFFF;
	_ =	strace $0x9FFFFFFF  }
0xc1: {  	(tm) =	ssettm $0x7FFFFFFF  }
tec
execute0_lowered:
.L_overlay_start_1:
0x0: {  	(tag) =	ssettag $0x1  }
0x1: {  	s4 =	rddreg [dreg:$0x0];
	s2 =	srdreg.scid  }
0x2: {  	s0 =	rddreg [dreg:$0x1];
	s1 =	stileid.u32;
	s11 =	simm.s32 $0x1000  }
0x3: {  	s12 =	simm.s32 $0x3;
	s13 =	simm.s32 $0x1;
	s14 =	simm.s32 $0x800  }
0x4: {  	s15 =	simm.s32 $0x2;
	s16 =	simm.s32 $0x80;
	s17 =	simm.s32 $0x400  }
0x5: {  	s18 =	simm.s32 $0x0;
	s3 =	sand.u32 $0x1, s2;
	s7 =	sshrl.u32 s1, $0x3  }
0x6: {  	s2 =	simm.s32 $0x0;
	s8 =	sshll.u32 s1, $0x7;
	s6 =	smul.u32 $0x27800, s3  }
0x7: {  	s5 =	sshll.u32 s3, $0x4;
	s7 =	smul.u32 $0x13C00, s7;
	[smem:$0x7FF] =	sst s2  }
0x8: {  	s26 =	sand.u32 $0x380, s8;
	s28 =	ssub.s32 $0x2, s3;
	s5 =	sor.u32 s1, s5  }
0x9: {  	s3 =	sadd.s32 $0x18000, s4;
	s5 =	smul.u32 $0x2710, s5;
	s6 =	sadd.s32 s6, s7  }
0xa: {  	_ =	strace $0x80000047;
	s31 =	sshrl.u32 s28, $0x1;
	s6 =	sor.u32 s26, s6  }
0xb: {  	s10 =	ssub.s32 s28, s31;
	s5 =	sshrl.u32 s5, $0x3;
	s30 =	sshrl.u32 s6, $0x3  }
0xc: {  	s10 =	smax.u32 s10, $0x1;
	s29 =	sadd.s32 s5, s4;
	s9 =	sadd.s32 s30, s4  }
0xd: {  	s4 =	sadd.s32 $0xE200, s29;
	s5 =	sadd.s32 $0xE2FA, s29;
	s6 =	sadd.s32 $0xE3F4, s29  }
0xe: {  	v0 =	vimm.f32 $1.000000000e+00;
	s7 =	sadd.s32 $0xE4EE, s29;
	s8 =	sadd.s32 $0xE5E8, s29;
	s9 =	sadd.s32 $0x19400, s9  }
.LBB2_1:
0xf: {  	[tilespmem:s11], [sflag:$0x3] =	stream.linear.gather [hbm4b:s3+s2], $0x2710, $0x38;
	[tilespmem:$0x3780] =	vst v63  }
0x10: {  	_ =	swait.ge [sflag:s12], $0x2710  }
0x11: {  	[sflag:s12] =	ssyncset.done $0x0  }
0x12: {  	[sflag:s12] =	ssyncadd.s32 $0xFFFFD8F0  }
0x13: {  	[tilespmem:s2], [sflag:$0x1] =	stream.linear.gather [hbm4b:s4+s2], $0x7D0, $0x38;
	[tilespmem:$0x3780] =	vst v63  }
0x14: {  	_ =	swait.ge [sflag:s13], $0x7D0  }
0x15: {  	[sflag:s13] =	ssyncset.done $0x0  }
0x16: {  	s19 =	simm.s32 $0x20;
	[sflag:s13] =	ssyncadd.s32 $0xFFFFF830  }
0x17: {  	[tilespmem:s14], [sflag:$0x2] =	stream.linear.gather [hbm4b:s5+s2], $0x7D0, $0x38;
	[tilespmem:$0x3780] =	vst v63  }
0x18: {  	v4 =	vld [tilespmem:s19+$0x20]  }
0x19: {  	v5 =	vld [tilespmem:s19+$0xFFFFFFF0];
	_ =	sdelay $0x3  }
0x1a: {  	v1 =	vld [tilespmem:s19+$0x0]  }
0x1b: {  	v2 =	vld [tilespmem:s19+$0x10]  }
0x1c: {  	v3 =	vld [tilespmem:s19+$0xFFFFFFE0]  }
0x1d: {  	[tilespmem:v4+s11+$0x0] =	vst.idx.add.f32.msk $0xffff, v0  }
0x1e: {  	s20 =	simm.s32 $0x70;
	s19 =	simm.s32 $0x0;
	[tilespmem:v5+s11+$0x0] =	vst.idx.add.f32.msk $0xffff, v0  }
.LBB2_2:
0x1f: {  	v4 =	vld [tilespmem:s20+$0x20];
	s19 =	sadd.s32 $0x5, s19  }
0x20: {  	v5 =	vld [tilespmem:s20+$0xFFFFFFF0];
	p0 =	slt.u32 s19, $0x78  }
0x21: {  	v6 =	vld [tilespmem:s20+$0x0]  }
0x22: {  	v7 =	vld [tilespmem:s20+$0x10]  }
0x23: {  	v8 =	vld [tilespmem:s20+$0xFFFFFFE0]  }
.Ltmp0:
0x24: {  	[tilespmem:v3+s11+$0x0] =	vst.idx.add.f32.msk $0xffff, v0;
	(pc) =	sbr.rel @p0 .LBB2_2-.Ltmp0, $4  }
0x25: {  	[tilespmem:v1+s11+$0x0] =	vst.idx.add.f32.msk $0xffff, v0  }
0x26: {  	[tilespmem:v2+s11+$0x0] =	vst.idx.add.f32.msk $0xffff, v0;
	v1 =	vmov v6  }
0x27: {  	[tilespmem:v4+s11+$0x0] =	vst.idx.add.f32.msk $0xffff, v0;
	v2 =	vmov v7  }
0x28: {  	s20 =	sadd.s32 $0x50, s20;
	[tilespmem:v5+s11+$0x0] =	vst.idx.add.f32.msk $0xffff, v0;
	v3 =	vmov v8  }
0x29: {  	_ =	sdelay $0x3  }
0x2a: {  	[tilespmem:v3+s11+$0x0] =	vst.idx.add.f32.msk $0xffff, v0  }
0x2b: {  	[tilespmem:v1+s11+$0x0] =	vst.idx.add.f32.msk $0xffff, v0  }
0x2c: {  	[tilespmem:v2+s11+$0x0] =	vst.idx.add.f32.msk $0xffff, v0  }
0x2d: {  	_ =	swait.ge [sflag:s15], $0x7D0  }
0x2e: {  	[sflag:s15] =	ssyncset.done $0x0  }
0x2f: {  	s19 =	simm.s32 $0x820;
	[sflag:s15] =	ssyncadd.s32 $0xFFFFF830  }
0x30: {  	[tilespmem:s2], [sflag:$0x1] =	stream.linear.gather [hbm4b:s6+s2], $0x7D0, $0x38;
	[tilespmem:$0x3780] =	vst v63  }
0x31: {  	v4 =	vld [tilespmem:s19+$0x20]  }
0x32: {  	v5 =	vld [tilespmem:s19+$0xFFFFFFF0];
	_ =	sdelay $0x3  }
0x33: {  	v1 =	vld [tilespmem:s19+$0x0]  }
0x34: {  	v2 =	vld [tilespmem:s19+$0x10]  }
0x35: {  	v3 =	vld [tilespmem:s19+$0xFFFFFFE0]  }
0x36: {  	[tilespmem:v4+s11+$0x0] =	vst.idx.add.f32.msk $0xffff, v0  }
0x37: {  	s20 =	simm.s32 $0x870;
	s19 =	simm.s32 $0x0;
	[tilespmem:v5+s11+$0x0] =	vst.idx.add.f32.msk $0xffff, v0  }
.LBB2_4:
0x38: {  	v4 =	vld [tilespmem:s20+$0x20];
	s19 =	sadd.s32 $0x5, s19  }
0x39: {  	v5 =	vld [tilespmem:s20+$0xFFFFFFF0];
	p0 =	slt.u32 s19, $0x78  }
0x3a: {  	v6 =	vld [tilespmem:s20+$0x0]  }
0x3b: {  	v7 =	vld [tilespmem:s20+$0x10]  }
0x3c: {  	v8 =	vld [tilespmem:s20+$0xFFFFFFE0]  }
.Ltmp1:
0x3d: {  	[tilespmem:v3+s11+$0x0] =	vst.idx.add.f32.msk $0xffff, v0;
	(pc) =	sbr.rel @p0 .LBB2_4-.Ltmp1, $4  }
0x3e: {  	[tilespmem:v1+s11+$0x0] =	vst.idx.add.f32.msk $0xffff, v0  }
0x3f: {  	[tilespmem:v2+s11+$0x0] =	vst.idx.add.f32.msk $0xffff, v0;
	v1 =	vmov v6  }
0x40: {  	[tilespmem:v4+s11+$0x0] =	vst.idx.add.f32.msk $0xffff, v0;
	v2 =	vmov v7  }
0x41: {  	s20 =	sadd.s32 $0x50, s20;
	[tilespmem:v5+s11+$0x0] =	vst.idx.add.f32.msk $0xffff, v0;
	v3 =	vmov v8  }
0x42: {  	_ =	sdelay $0x3  }
0x43: {  	[tilespmem:v3+s11+$0x0] =	vst.idx.add.f32.msk $0xffff, v0  }
0x44: {  	[tilespmem:v1+s11+$0x0] =	vst.idx.add.f32.msk $0xffff, v0  }
0x45: {  	[tilespmem:v2+s11+$0x0] =	vst.idx.add.f32.msk $0xffff, v0  }
0x46: {  	_ =	swait.ge [sflag:s13], $0x7D0  }
0x47: {  	[sflag:s13] =	ssyncset.done $0x0  }
0x48: {  	s19 =	simm.s32 $0x20;
	[sflag:s13] =	ssyncadd.s32 $0xFFFFF830  }
0x49: {  	[tilespmem:s14], [sflag:$0x2] =	stream.linear.gather [hbm4b:s7+s2], $0x7D0, $0x38;
	[tilespmem:$0x3780] =	vst v63  }
0x4a: {  	v4 =	vld [tilespmem:s19+$0x20]  }
0x4b: {  	v5 =	vld [tilespmem:s19+$0xFFFFFFF0];
	_ =	sdelay $0x3  }
0x4c: {  	v1 =	vld [tilespmem:s19+$0x0]  }
0x4d: {  	v2 =	vld [tilespmem:s19+$0x10]  }
0x4e: {  	v3 =	vld [tilespmem:s19+$0xFFFFFFE0]  }
0x4f: {  	[tilespmem:v4+s11+$0x0] =	vst.idx.add.f32.msk $0xffff, v0  }
0x50: {  	s20 =	simm.s32 $0x70;
	s19 =	simm.s32 $0x0;
	[tilespmem:v5+s11+$0x0] =	vst.idx.add.f32.msk $0xffff, v0  }
.LBB2_6:
0x51: {  	v4 =	vld [tilespmem:s20+$0x20];
	s19 =	sadd.s32 $0x5, s19  }
0x52: {  	v5 =	vld [tilespmem:s20+$0xFFFFFFF0];
	p0 =	slt.u32 s19, $0x78  }
0x53: {  	v6 =	vld [tilespmem:s20+$0x0]  }
0x54: {  	v7 =	vld [tilespmem:s20+$0x10]  }
0x55: {  	v8 =	vld [tilespmem:s20+$0xFFFFFFE0]  }
.Ltmp2:
0x56: {  	[tilespmem:v3+s11+$0x0] =	vst.idx.add.f32.msk $0xffff, v0;
	(pc) =	sbr.rel @p0 .LBB2_6-.Ltmp2, $4  }
0x57: {  	[tilespmem:v1+s11+$0x0] =	vst.idx.add.f32.msk $0xffff, v0  }
0x58: {  	[tilespmem:v2+s11+$0x0] =	vst.idx.add.f32.msk $0xffff, v0;
	v1 =	vmov v6  }
0x59: {  	[tilespmem:v4+s11+$0x0] =	vst.idx.add.f32.msk $0xffff, v0;
	v2 =	vmov v7  }
0x5a: {  	s20 =	sadd.s32 $0x50, s20;
	[tilespmem:v5+s11+$0x0] =	vst.idx.add.f32.msk $0xffff, v0;
	v3 =	vmov v8  }
0x5b: {  	_ =	sdelay $0x3  }
0x5c: {  	[tilespmem:v3+s11+$0x0] =	vst.idx.add.f32.msk $0xffff, v0  }
0x5d: {  	[tilespmem:v1+s11+$0x0] =	vst.idx.add.f32.msk $0xffff, v0  }
0x5e: {  	[tilespmem:v2+s11+$0x0] =	vst.idx.add.f32.msk $0xffff, v0  }
0x5f: {  	_ =	swait.ge [sflag:s15], $0x7D0  }
0x60: {  	[sflag:s15] =	ssyncset.done $0x0  }
0x61: {  	s19 =	simm.s32 $0x820;
	[sflag:s15] =	ssyncadd.s32 $0xFFFFF830  }
0x62: {  	[tilespmem:s2], [sflag:$0x1] =	stream.linear.gather [hbm4b:s8+s2], $0x7D0, $0x38;
	[tilespmem:$0x3780] =	vst v63  }
0x63: {  	v4 =	vld [tilespmem:s19+$0x20]  }
0x64: {  	v5 =	vld [tilespmem:s19+$0xFFFFFFF0];
	_ =	sdelay $0x3  }
0x65: {  	v1 =	vld [tilespmem:s19+$0x0]  }
0x66: {  	v2 =	vld [tilespmem:s19+$0x10]  }
0x67: {  	v3 =	vld [tilespmem:s19+$0xFFFFFFE0]  }
0x68: {  	[tilespmem:v4+s11+$0x0] =	vst.idx.add.f32.msk $0xffff, v0  }
0x69: {  	s20 =	simm.s32 $0x870;
	s19 =	simm.s32 $0x0;
	[tilespmem:v5+s11+$0x0] =	vst.idx.add.f32.msk $0xffff, v0  }
.LBB2_8:
0x6a: {  	v4 =	vld [tilespmem:s20+$0x20];
	s19 =	sadd.s32 $0x5, s19  }
0x6b: {  	v5 =	vld [tilespmem:s20+$0xFFFFFFF0];
	p0 =	slt.u32 s19, $0x78  }
0x6c: {  	v6 =	vld [tilespmem:s20+$0x0]  }
0x6d: {  	v7 =	vld [tilespmem:s20+$0x10]  }
0x6e: {  	v8 =	vld [tilespmem:s20+$0xFFFFFFE0]  }
.Ltmp3:
0x6f: {  	[tilespmem:v3+s11+$0x0] =	vst.idx.add.f32.msk $0xffff, v0;
	(pc) =	sbr.rel @p0 .LBB2_8-.Ltmp3, $4  }
0x70: {  	[tilespmem:v1+s11+$0x0] =	vst.idx.add.f32.msk $0xffff, v0  }
0x71: {  	[tilespmem:v2+s11+$0x0] =	vst.idx.add.f32.msk $0xffff, v0;
	v1 =	vmov v6  }
0x72: {  	[tilespmem:v4+s11+$0x0] =	vst.idx.add.f32.msk $0xffff, v0;
	v2 =	vmov v7  }
0x73: {  	s20 =	sadd.s32 $0x50, s20;
	[tilespmem:v5+s11+$0x0] =	vst.idx.add.f32.msk $0xffff, v0;
	v3 =	vmov v8  }
0x74: {  	_ =	sdelay $0x3  }
0x75: {  	[tilespmem:v3+s11+$0x0] =	vst.idx.add.f32.msk $0xffff, v0  }
0x76: {  	[tilespmem:v1+s11+$0x0] =	vst.idx.add.f32.msk $0xffff, v0  }
0x77: {  	[tilespmem:v2+s11+$0x0] =	vst.idx.add.f32.msk $0xffff, v0  }
0x78: {  	_ =	swait.ge [sflag:s13], $0x7D0  }
0x79: {  	[sflag:s13] =	ssyncset.done $0x0  }
0x7a: {  	s19 =	simm.s32 $0x20;
	[sflag:s13] =	ssyncadd.s32 $0xFFFFF830  }
0x7b: {  	v4 =	vld [tilespmem:s19+$0x20]  }
0x7c: {  	v5 =	vld [tilespmem:s19+$0xFFFFFFF0];
	_ =	sdelay $0x3  }
0x7d: {  	v1 =	vld [tilespmem:s19+$0x0]  }
0x7e: {  	v2 =	vld [tilespmem:s19+$0x10]  }
0x7f: {  	v3 =	vld [tilespmem:s19+$0xFFFFFFE0]  }
0x80: {  	[tilespmem:v4+s11+$0x0] =	vst.idx.add.f32.msk $0xffff, v0  }
0x81: {  	s20 =	simm.s32 $0x70;
	s19 =	simm.s32 $0x0;
	[tilespmem:v5+s11+$0x0] =	vst.idx.add.f32.msk $0xffff, v0  }
.LBB2_10:
0x82: {  	v4 =	vld [tilespmem:s20+$0x20];
	s19 =	sadd.s32 $0x5, s19  }
0x83: {  	v5 =	vld [tilespmem:s20+$0xFFFFFFF0];
	p0 =	slt.u32 s19, $0x78  }
0x84: {  	v6 =	vld [tilespmem:s20+$0x0]  }
0x85: {  	v7 =	vld [tilespmem:s20+$0x10]  }
0x86: {  	v8 =	vld [tilespmem:s20+$0xFFFFFFE0]  }
.Ltmp4:
0x87: {  	[tilespmem:v3+s11+$0x0] =	vst.idx.add.f32.msk $0xffff, v0;
	(pc) =	sbr.rel @p0 .LBB2_10-.Ltmp4, $4  }
0x88: {  	[tilespmem:v1+s11+$0x0] =	vst.idx.add.f32.msk $0xffff, v0  }
0x89: {  	[tilespmem:v2+s11+$0x0] =	vst.idx.add.f32.msk $0xffff, v0;
	v1 =	vmov v6  }
0x8a: {  	[tilespmem:v4+s11+$0x0] =	vst.idx.add.f32.msk $0xffff, v0;
	v2 =	vmov v7  }
0x8b: {  	s20 =	sadd.s32 $0x50, s20;
	[tilespmem:v5+s11+$0x0] =	vst.idx.add.f32.msk $0xffff, v0;
	v3 =	vmov v8  }
0x8c: {  	_ =	sdelay $0x3  }
0x8d: {  	[tilespmem:v3+s11+$0x0] =	vst.idx.add.f32.msk $0xffff, v0;
	s18 =	sadd.s32 $0x1, s18  }
0x8e: {  	[tilespmem:v1+s11+$0x0] =	vst.idx.add.f32.msk $0xffff, v0;
	p0 =	sne.s32 s18, s10  }
.Ltmp5:
0x8f: {  	[tilespmem:v2+s11+$0x0] =	vst.idx.add.f32.msk $0xffff, v0;
	(pc) =	sbr.rel @p0 .LBB2_1-.Ltmp5, $4  }
0x90: {  	[hbm4b:s9+s16] =	stream.strided.scatter [tilespmem:s11], [sflag:$0x3], $0x2780, s17, s16, $0x38;
	[tilespmem:$0x3780] =	vst v63  }
0x91: {  	_ =	swait.ge [sflag:s12], $0x2780  }
0x92: {  	[sflag:s12] =	ssyncset.done $0x0  }
0x93: {  	[sflag:s12] =	ssyncadd.s32 $0xFFFFD880  }
0x94: {  	_ =	sfence.sel $0x180000  }
0x95: {  	[bflag:$0x0] =	sbarrier.arrive $0xFFFF  }
0x96: {  	p0 =	sne.s32 s1, $0x0;
	_ =	strace $0x90000047  }
0x97: {  	s0 =	sadd.s32 @!p0 $0x100000, s0;
	[bflag:$0x2] =	sbarrier.arrive $0xFFFF  }
0x98: {  	[sflag:s0] =	ssyncadd.tile.s32 @!p0 $0x1;
	_ =	shalt  }
.Lfunc_end2:
_tile_overlayer_lowered:
.L_overlay_start_2:
0x99: {  	(tag) =	ssettag $0x2  }
0x9a: {  	s0 =	rddreg [dreg:$0x0];
	s2 =	stileid.u32  }
0x9b: {  	s1 =	rddreg [dreg:$0x1];
	p0 =	sne.s32 s2, $0x0  }
0x9c: {  	s3 =	rddreg [dreg:$0x2];
	[bflag:$0x3] =	sbarrier.arrive $0xFFFF;
	s2 =	simm.s32 @!p0 $0x1C03  }
0x9d: {  	[timem:s3], [sflag:s2] =	dma.local @!p0 [hbm:s0], s1  }
0x9e: {  	s0 =	simm.s32 @!p0 $0x3  }
0x9f: {  	_ =	swait.ge @!p0 [sflag:s0], s1  }
0xa0: {  	s1 =	ssub.s32 @!p0 $0x0, s1;
	[sflag:s0] =	ssyncset.done @!p0 $0x0  }
0xa1: {  	[sflag:s0] =	ssyncadd.s32 @!p0 s1  }
0xa2: {  	[bflag:$0x3] =	sbarrier.arrive $0xFFFF  }
0xa3: {  	_ =	shalt  }

</sc_bundles>
